<compile_context>
chip_gen: v7x
topology: tpu7x:2x2x1
jax: 0.10.2.dev20260603
libtpu: 0.0.44.dev20260713+nightly
codegen_flags: <defaults>
</compile_context>

<pallas_src>
import functools

import jax
import jax.numpy as jnp
from jax import lax
from jax.experimental import pallas as pl
from jax.experimental.pallas import tpu as pltpu
from jax.experimental.pallas import tpu_sc as plsc

N_NODES = 10000
H = 128
NC, NS = 2, 16
NW = NC * NS
GROUP = 128
ZCHUNK = 80
NZCHUNKS = N_NODES // ZCHUNK

_mesh = plsc.VectorSubcoreMesh(
    core_axis_name="c", subcore_axis_name="s", num_cores=NC, num_subcores=NS)


def _layer_norm(h, g, b):
    mu = jnp.mean(h, axis=-1, keepdims=True)
    var = jnp.mean((h - mu) ** 2, axis=-1, keepdims=True)
    return (h - mu) * lax.rsqrt(var + 1e-5) * g + b


def _dot(a, b):
    return jnp.dot(a, b, preferred_element_type=jnp.float32)



def _edge_mlp_body(x_ref, w1, b1, w2, b2, w3, b3, w4, b4, g, b, out_ref):
    h = x_ref[...]
    h = jnp.maximum(_dot(h, w1[...]) + b1[...], 0.0)
    h = jnp.maximum(_dot(h, w2[...]) + b2[...], 0.0)
    h = jnp.maximum(_dot(h, w3[...]) + b3[...], 0.0)
    h = _dot(h, w4[...]) + b4[...]
    out_ref[...] = _layer_norm(h, g[...], b[...])


def _node_mlp_body(p_ref, w1, b1, w2, b2, w3, b3, w4, b4, g, b, w1a, w1b,
                   node_ref, a_ref, b_ref):
    h = p_ref[0] + p_ref[1]
    h = jnp.maximum(_dot(h, w1[...]) + b1[...], 0.0)
    h = jnp.maximum(_dot(h, w2[...]) + b2[...], 0.0)
    h = jnp.maximum(_dot(h, w3[...]) + b3[...], 0.0)
    h = _dot(h, w4[...]) + b4[...]
    xn = _layer_norm(h, g[...], b[...])
    node_ref[...] = xn
    a_ref[...] = _dot(xn, w1a[...])
    b_ref[...] = _dot(xn, w1b[...])


def _final_mlp_body(g_ref, b1, w2, b2, w3, b3, w4, b4, g, b, out_ref):
    h = jnp.maximum(g_ref[...] + b1[...], 0.0)
    h = jnp.maximum(_dot(h, w2[...]) + b2[...], 0.0)
    h = jnp.maximum(_dot(h, w3[...]) + b3[...], 0.0)
    h = _dot(h, w4[...]) + b4[...]
    out_ref[...] = _layer_norm(h, g[...], b[...])


def _full(shape):
    return pl.BlockSpec(shape, lambda i: (0,) * len(shape))


def _rows(block_rows, ncols):
    return pl.BlockSpec((block_rows, ncols), lambda i: (i, 0))



def _scatter_add(x_edge, src, dst, zeros):
    E = x_edge.shape[0]
    ngroups = E // GROUP

    @functools.partial(
        pl.kernel,
        out_type=jax.ShapeDtypeStruct((NC, N_NODES, H), jnp.float32),
        mesh=_mesh,
        scratch_types=[
            pltpu.VMEM_SHARED((N_NODES, H), jnp.float32),
            pltpu.VMEM((GROUP, H), jnp.float32),
            pltpu.VMEM((GROUP,), jnp.int32),
            pltpu.VMEM((GROUP,), jnp.int32),
            pltpu.VMEM((ZCHUNK, H), jnp.float32),
        ],
    )
    def sc_scatter(xe_hbm, src_hbm, dst_hbm, zero_hbm, out_hbm,
                   acc, vrows, vsrc, vdst, zbuf):
        c = lax.axis_index("c")
        s = lax.axis_index("s")
        wid = s * NC + c

        @pl.loop(s, NZCHUNKS, step=NS)
        def _zero(j):
            off = pl.multiple_of(j * ZCHUNK, ZCHUNK)
            pltpu.sync_copy(zero_hbm.at[pl.ds(off, ZCHUNK)], zbuf)
            pltpu.sync_copy(zbuf, acc.at[pl.ds(off, ZCHUNK)])

        plsc.subcore_barrier()

        @pl.loop(wid, ngroups, step=NW)
        def _body(gi):
            base = pl.multiple_of(gi * GROUP, GROUP)
            pltpu.sync_copy(xe_hbm.at[pl.ds(base, GROUP)], vrows)
            pltpu.sync_copy(src_hbm.at[pl.ds(base, GROUP)], vsrc)
            pltpu.sync_copy(dst_hbm.at[pl.ds(base, GROUP)], vdst)
            pltpu.sync_copy(vrows, acc.at[vsrc], add=True)
            pltpu.sync_copy(vrows, acc.at[vdst], add=True)

        plsc.subcore_barrier()

        @pl.loop(s, NZCHUNKS, step=NS)
        def _flush(j):
            off = pl.multiple_of(j * ZCHUNK, ZCHUNK)
            pltpu.sync_copy(acc.at[pl.ds(off, ZCHUNK)], zbuf)
            pltpu.sync_copy(zbuf, out_hbm.at[c, pl.ds(off, ZCHUNK)])

    return sc_scatter(x_edge, src, dst, zeros)


def _gather_sum(a_tab, b_tab, src, dst):
    E = src.shape[0]
    ngroups = E // GROUP

    @functools.partial(
        pl.kernel,
        out_type=jax.ShapeDtypeStruct((E, H), jnp.float32),
        mesh=_mesh,
        scratch_types=[
            pltpu.VMEM((GROUP, H), jnp.float32),
            pltpu.VMEM((GROUP,), jnp.int32),
            pltpu.VMEM((GROUP,), jnp.int32),
        ],
    )
    def sc_gather(a_hbm, b_hbm, src_hbm, dst_hbm, out_hbm, vrows, vsrc, vdst):
        c = lax.axis_index("c")
        s = lax.axis_index("s")
        wid = s * NC + c

        @pl.loop(wid, ngroups, step=NW)
        def _body(gi):
            base = pl.multiple_of(gi * GROUP, GROUP)
            pltpu.sync_copy(src_hbm.at[pl.ds(base, GROUP)], vsrc)
            pltpu.sync_copy(dst_hbm.at[pl.ds(base, GROUP)], vdst)
            pltpu.sync_copy(a_hbm.at[vsrc], vrows)
            pltpu.sync_copy(b_hbm.at[vdst], vrows, add=True)
            pltpu.sync_copy(vrows, out_hbm.at[pl.ds(base, GROUP)])

    return sc_gather(a_tab, b_tab, src, dst)



def _unpack(p):
    (l1, l2, l3, l4), (g, b) = p
    flat = []
    for w, bb in (l1, l2, l3, l4):
        flat += [w, bb.reshape(1, -1)]
    flat += [g.reshape(1, -1), b.reshape(1, -1)]
    return flat


def kernel(x, edge_index, num_nodes, params):
    E = x.shape[0]
    D = x.shape[1]
    src = edge_index[0]
    dst = edge_index[1]

    eb = _unpack(params["eb"])
    nb = _unpack(params["nb"])
    e1 = _unpack(params["eb1"])
    w1_cat = e1[0]
    w1a, w1b = w1_cat[:H], w1_cat[H:]

    blk_e = 3200
    grid_e = E // blk_e

    x_edge = pl.pallas_call(
        _edge_mlp_body,
        grid=(grid_e,),
        in_specs=[_rows(blk_e, D), _full((D, H)), _full((1, H)),
                  _full((H, H)), _full((1, H)), _full((H, H)), _full((1, H)),
                  _full((H, H)), _full((1, H)), _full((1, H)), _full((1, H))],
        out_specs=_rows(blk_e, H),
        out_shape=jax.ShapeDtypeStruct((E, H), jnp.float32),
    )(x, *eb)

    zeros = jnp.zeros((N_NODES, H), jnp.float32)
    partials = _scatter_add(x_edge, src, dst, zeros)

    blk_n = 1000
    grid_n = N_NODES // blk_n
    x_node, a_tab, b_tab = pl.pallas_call(
        _node_mlp_body,
        grid=(grid_n,),
        in_specs=[pl.BlockSpec((NC, blk_n, H), lambda i: (0, i, 0)),
                  _full((H, H)), _full((1, H)), _full((H, H)), _full((1, H)),
                  _full((H, H)), _full((1, H)), _full((H, H)), _full((1, H)),
                  _full((1, H)), _full((1, H)), _full((H, H)), _full((H, H))],
        out_specs=[_rows(blk_n, H), _rows(blk_n, H), _rows(blk_n, H)],
        out_shape=[jax.ShapeDtypeStruct((N_NODES, H), jnp.float32),
                   jax.ShapeDtypeStruct((N_NODES, H), jnp.float32),
                   jax.ShapeDtypeStruct((N_NODES, H), jnp.float32)],
    )(partials, *nb, w1a, w1b)

    g_sum = _gather_sum(a_tab, b_tab, src, dst)

    x_edge_out = pl.pallas_call(
        _final_mlp_body,
        grid=(grid_e,),
        in_specs=[_rows(blk_e, H), _full((1, H)),
                  _full((H, H)), _full((1, H)), _full((H, H)), _full((1, H)),
                  _full((H, H)), _full((1, H)), _full((1, H)), _full((1, H))],
        out_specs=_rows(blk_e, H),
        out_shape=jax.ShapeDtypeStruct((E, H), jnp.float32),
    )(g_sum, e1[1], *e1[2:8], e1[8], e1[9])

    return (x_node, x_edge_out)

# --- scband reference (transcript-rebuilt; emitter-appended) ---
"""Pipeline reference for scband-encoder-45509473468800 (READ-ONLY COPY).

The authoritative reference and input builder live on the scoring server;
editing this copy changes nothing except your own understanding.
"""

import jax, jax.numpy as jnp
import numpy as np


def _mlp_params(key, in_size, h, out):
    keys = jax.random.split(key, 4)
    def lin(k, i, o):
        w = jax.random.normal(k, (i, o), dtype=jnp.float32) * (1.0 / np.sqrt(i))
        b = jnp.zeros((o,), dtype=jnp.float32)
        return (w, b)
    layers = (lin(keys[0], in_size, h), lin(keys[1], h, h), lin(keys[2], h, h), lin(keys[3], h, out))
    ln = (jnp.ones((out,), dtype=jnp.float32), jnp.zeros((out,), dtype=jnp.float32))
    return (layers, ln)


def _mlp_apply(params, x):
    layers, (g, b) = params
    n_layers = len(layers)
    for i, (w, bb) in enumerate(layers):
        x = x @ w + bb
        if i < n_layers - 1:
            x = jax.nn.relu(x)
    mu = jnp.mean(x, axis=-1, keepdims=True)
    var = jnp.var(x, axis=-1, keepdims=True)
    x = (x - mu) / jnp.sqrt(var + 1e-5)
    return x * g + b


def setup_inputs(seed: int = 0) -> dict:
    key = jax.random.key(seed)
    k1, k2, k3, k4, k5 = jax.random.split(key, 5)
    E = 320000
    N = 10000
    D = 16
    H = 128
    x = jax.random.normal(k1, (E, D), dtype=jnp.float32)
    edge_index = jax.random.randint(k2, (2, E), 0, N, dtype=jnp.int32)
    params = {
        "eb": _mlp_params(k3, D, H, H),
        "nb": _mlp_params(k4, H, H, H),
        "eb1": _mlp_params(k5, 2 * H, H, H),
    }
    return {"x": x, "edge_index": edge_index, "num_nodes": N, "params": params}


def reference(x, edge_index, num_nodes, params):
    # edge encoder
    x_edge = _mlp_apply(params["eb"], x)
    # scatter-add edge features into both endpoint nodes (same accumulator, like torch scatter_add with shared out)
    NUM_NODES_STATIC = 10000
    x_node = jnp.zeros((NUM_NODES_STATIC, x_edge.shape[1]), dtype=x_edge.dtype)
    x_node = x_node * jnp.asarray(num_nodes, dtype=x_edge.dtype)
    x_node = x_node.at[edge_index[0]].add(x_edge)
    x_node = x_node.at[edge_index[1]].add(x_edge)
    # node encoder
    x_node_ = _mlp_apply(params["nb"], x_node)
    # gather endpoint node features per edge, concat, second edge encoder
    cat = jnp.concatenate([x_node_[edge_index[0]], x_node_[edge_index[1]]], axis=1)
    x_edge_out = _mlp_apply(params["eb1"], cat)
    return (x_node_, x_edge_out)

if __name__ == "__main__":
    import jax
    _d = setup_inputs()
    print(jax.jit(kernel)(*tuple(_d.values())))

</pallas_src>

<mosaic_0001>
#map = affine_map<(d0, d1) -> (0, 0)>
#map1 = affine_map<(d0, d1) -> (0)>
module attributes {stable_mosaic.version = 14 : i64} {
  func.func @sc_gather(%arg0: i32, %arg1: i32, %arg2: memref<10000x128xf32, #tpu.memory_space<hbm>>, %arg3: memref<10000x128xf32, #tpu.memory_space<hbm>>, %arg4: memref<320000xi32, #tpu.memory_space<hbm>>, %arg5: memref<320000xi32, #tpu.memory_space<hbm>>, %arg6: memref<320000x128xf32, #tpu.memory_space<hbm>>, %arg7: memref<128x128xf32, #tpu.memory_space<vmem>>, %arg8: memref<128xi32, #tpu.memory_space<vmem>>, %arg9: memref<128xi32, #tpu.memory_space<vmem>>) attributes {dimension_semantics = [#tpu.dimension_semantics<core_parallel>, #tpu.dimension_semantics<subcore_parallel>], iteration_bounds = array<i64: 2, 16>, scalar_prefetch = 0 : i64, scratch_operands = 3 : i64, tpu.core_type = #tpu.core_type<sc_vector_subcore>, window_params = [{transform_indices = #map}, {transform_indices = #map}, {transform_indices = #map1}, {transform_indices = #map1}, {transform_indices = #map}]} {
    %mul3A = arith.constant 2 : i32
    %mul3A_0 = arith.muli %arg1, %mul3A : i32
    %add3A = arith.addi %mul3A_0, %arg0 : i32
    %sub3A = arith.constant 2500 : i32
    %sub3A_1 = arith.subi %sub3A, %add3A : i32
    %sub3A_2 = arith.constant 32 : i32
    %sub3A_3 = arith.constant 1 : i32
    %sub3A_4 = arith.subi %sub3A_2, %sub3A_3 : i32
    %add3A_5 = arith.addi %sub3A_1, %sub3A_4 : i32
    %div3A = arith.constant 32 : i32
    %div3A_6 = arith.divsi %add3A_5, %div3A : i32
    %while3A = arith.constant 32 : i32
    %while3A_7 = arith.constant 0 : i32
    %while3A_8 = arith.subi %div3A_6, %while3A_7 : i32
    %while3A_9 = arith.addi %while3A_7, %while3A_8 : i32
    %while3A_10 = arith.constant 1 : i32
    %while3A_11 = arith.divsi %while3A_8, %while3A_10 : i32
    %while3A_12 = arith.muli %while3A_11, %while3A_10 : i32
    %while3A_13 = arith.addi %while3A_7, %while3A_12 : i32
    %while3A_14 = arith.constant 1 : i32
    scf.for %while3A_16 = %while3A_7 to %while3A_13 step %while3A_14  : i32 {
      %mul3A_17 = arith.muli %while3A_16, %while3A : i32
      %add3A_18 = arith.addi %add3A, %mul3A_17 : i32
      %mul3A_19 = arith.constant 128 : i32
      %mul3A_20 = arith.muli %add3A_18, %mul3A_19 : i32
      %multiple_of3A = tpu.assume_multiple %mul3A_20, 128 : i32
      "tpu.region"() ({
        %run_scoped3A = tpu.sem_alloc : memref<!tpu.dma_semaphore, #tpu.memory_space<semaphore_mem>>
        %dma_start3A = tpu.memref_slice %arg4[%multiple_of3A] : memref<320000xi32, #tpu.memory_space<hbm>> -> memref<128xi32, #tpu.memory_space<hbm>>
        %dma_start3A_21 = tpu.memref_slice %arg4[%multiple_of3A] : memref<320000xi32, #tpu.memory_space<hbm>> -> memref<128xi32, #tpu.memory_space<hbm>>
        tpu.enqueue_dma source(%dma_start3A_21 : memref<128xi32, #tpu.memory_space<hbm>>) target(%arg8 : memref<128xi32, #tpu.memory_space<vmem>>) target_semaphore(%run_scoped3A : memref<!tpu.dma_semaphore, #tpu.memory_space<semaphore_mem>>)
        %dma_wait3A = tpu.memref_slice %arg4[%multiple_of3A] : memref<320000xi32, #tpu.memory_space<hbm>> -> memref<128xi32, #tpu.memory_space<hbm>>
        %dma_wait3A_22 = tpu.memref_slice %arg4[%multiple_of3A] : memref<320000xi32, #tpu.memory_space<hbm>> -> memref<128xi32, #tpu.memory_space<hbm>>
        tpu.wait_dma2 semaphore(%run_scoped3A : memref<!tpu.dma_semaphore, #tpu.memory_space<semaphore_mem>>) src(%dma_wait3A_22 : memref<128xi32, #tpu.memory_space<hbm>>) dst(%arg8 : memref<128xi32, #tpu.memory_space<vmem>>)
        tpu.yield
      }) : () -> ()
      "tpu.region"() ({
        %run_scoped3A = tpu.sem_alloc : memref<!tpu.dma_semaphore, #tpu.memory_space<semaphore_mem>>
        %dma_start3A = tpu.memref_slice %arg5[%multiple_of3A] : memref<320000xi32, #tpu.memory_space<hbm>> -> memref<128xi32, #tpu.memory_space<hbm>>
        %dma_start3A_21 = tpu.memref_slice %arg5[%multiple_of3A] : memref<320000xi32, #tpu.memory_space<hbm>> -> memref<128xi32, #tpu.memory_space<hbm>>
        tpu.enqueue_dma source(%dma_start3A_21 : memref<128xi32, #tpu.memory_space<hbm>>) target(%arg9 : memref<128xi32, #tpu.memory_space<vmem>>) target_semaphore(%run_scoped3A : memref<!tpu.dma_semaphore, #tpu.memory_space<semaphore_mem>>)
        %dma_wait3A = tpu.memref_slice %arg5[%multiple_of3A] : memref<320000xi32, #tpu.memory_space<hbm>> -> memref<128xi32, #tpu.memory_space<hbm>>
        %dma_wait3A_22 = tpu.memref_slice %arg5[%multiple_of3A] : memref<320000xi32, #tpu.memory_space<hbm>> -> memref<128xi32, #tpu.memory_space<hbm>>
        tpu.wait_dma2 semaphore(%run_scoped3A : memref<!tpu.dma_semaphore, #tpu.memory_space<semaphore_mem>>) src(%dma_wait3A_22 : memref<128xi32, #tpu.memory_space<hbm>>) dst(%arg9 : memref<128xi32, #tpu.memory_space<vmem>>)
        tpu.yield
      }) : () -> ()
      "tpu.region"() ({
        %run_scoped3A = tpu.sem_alloc : memref<!tpu.dma_semaphore, #tpu.memory_space<semaphore_mem>>
        %dma_start3A = arith.constant 0 : i32
        %dma_start3A_21 = arith.constant 0 : i32
        %dma_start3A_22 = tpu.memref_slice %arg2[%dma_start3A, %dma_start3A_21] : memref<10000x128xf32, #tpu.memory_space<hbm>> -> memref<10000x128xf32, #tpu.memory_space<hbm>>
        tpu.enqueue_indirect_dma source(%dma_start3A_22 : memref<10000x128xf32, #tpu.memory_space<hbm>>) target(%arg7 : memref<128x128xf32, #tpu.memory_space<vmem>>) offsets(%arg8 : memref<128xi32, #tpu.memory_space<vmem>>) semaphore(%run_scoped3A : memref<!tpu.dma_semaphore, #tpu.memory_space<semaphore_mem>>)
        %dma_wait3A = arith.constant 0 : i32
        %dma_wait3A_23 = arith.constant 0 : i32
        %dma_wait3A_24 = tpu.memref_slice %arg2[%dma_wait3A, %dma_wait3A_23] : memref<10000x128xf32, #tpu.memory_space<hbm>> -> memref<10000x128xf32, #tpu.memory_space<hbm>>
        tpu.wait_indirect_dma semaphore(%run_scoped3A : memref<!tpu.dma_semaphore, #tpu.memory_space<semaphore_mem>>) src(%dma_wait3A_24 : memref<10000x128xf32, #tpu.memory_space<hbm>>) dst(%arg7 : memref<128x128xf32, #tpu.memory_space<vmem>>)
        tpu.yield
      }) : () -> ()
      "tpu.region"() ({
        %run_scoped3A = tpu.sem_alloc : memref<!tpu.dma_semaphore, #tpu.memory_space<semaphore_mem>>
        %dma_start3A = arith.constant 0 : i32
        %dma_start3A_21 = arith.constant 0 : i32
        %dma_start3A_22 = tpu.memref_slice %arg3[%dma_start3A, %dma_start3A_21] : memref<10000x128xf32, #tpu.memory_space<hbm>> -> memref<10000x128xf32, #tpu.memory_space<hbm>>
        tpu.enqueue_indirect_dma source(%dma_start3A_22 : memref<10000x128xf32, #tpu.memory_space<hbm>>) target(%arg7 : memref<128x128xf32, #tpu.memory_space<vmem>>) offsets(%arg9 : memref<128xi32, #tpu.memory_space<vmem>>) semaphore(%run_scoped3A : memref<!tpu.dma_semaphore, #tpu.memory_space<semaphore_mem>>) {add = true}
        %dma_wait3A = arith.constant 0 : i32
        %dma_wait3A_23 = arith.constant 0 : i32
        %dma_wait3A_24 = tpu.memref_slice %arg3[%dma_wait3A, %dma_wait3A_23] : memref<10000x128xf32, #tpu.memory_space<hbm>> -> memref<10000x128xf32, #tpu.memory_space<hbm>>
        tpu.wait_indirect_dma semaphore(%run_scoped3A : memref<!tpu.dma_semaphore, #tpu.memory_space<semaphore_mem>>) src(%dma_wait3A_24 : memref<10000x128xf32, #tpu.memory_space<hbm>>) dst(%arg7 : memref<128x128xf32, #tpu.memory_space<vmem>>)
        tpu.yield
      }) : () -> ()
      "tpu.region"() ({
        %run_scoped3A = tpu.sem_alloc : memref<!tpu.dma_semaphore, #tpu.memory_space<semaphore_mem>>
        %dma_start3A = arith.constant 0 : i32
        %dma_start3A_21 = tpu.memref_slice %arg6[%multiple_of3A, %dma_start3A] : memref<320000x128xf32, #tpu.memory_space<hbm>> -> memref<128x128xf32, #tpu.memory_space<hbm>>
        %dma_start3A_22 = arith.constant 0 : i32
        %dma_start3A_23 = tpu.memref_slice %arg6[%multiple_of3A, %dma_start3A_22] : memref<320000x128xf32, #tpu.memory_space<hbm>> -> memref<128x128xf32, #tpu.memory_space<hbm>>
        tpu.enqueue_dma source(%arg7 : memref<128x128xf32, #tpu.memory_space<vmem>>) target(%dma_start3A_23 : memref<128x128xf32, #tpu.memory_space<hbm>>) target_semaphore(%run_scoped3A : memref<!tpu.dma_semaphore, #tpu.memory_space<semaphore_mem>>)
        %dma_wait3A = arith.constant 0 : i32
        %dma_wait3A_24 = tpu.memref_slice %arg6[%multiple_of3A, %dma_wait3A] : memref<320000x128xf32, #tpu.memory_space<hbm>> -> memref<128x128xf32, #tpu.memory_space<hbm>>
        %dma_wait3A_25 = arith.constant 0 : i32
        %dma_wait3A_26 = tpu.memref_slice %arg6[%multiple_of3A, %dma_wait3A_25] : memref<320000x128xf32, #tpu.memory_space<hbm>> -> memref<128x128xf32, #tpu.memory_space<hbm>>
        tpu.wait_dma2 semaphore(%run_scoped3A : memref<!tpu.dma_semaphore, #tpu.memory_space<semaphore_mem>>) src(%arg7 : memref<128x128xf32, #tpu.memory_space<vmem>>) dst(%dma_wait3A_26 : memref<128x128xf32, #tpu.memory_space<hbm>>)
        tpu.yield
      }) : () -> ()
    }
    %while3A_15 = arith.constant 1 : i32
    scf.for %while3A_16 = %while3A_13 to %while3A_9 step %while3A_15  : i32 {
      %mul3A_17 = arith.muli %while3A_16, %while3A : i32
      %add3A_18 = arith.addi %add3A, %mul3A_17 : i32
      %mul3A_19 = arith.constant 128 : i32
      %mul3A_20 = arith.muli %add3A_18, %mul3A_19 : i32
      %multiple_of3A = tpu.assume_multiple %mul3A_20, 128 : i32
      "tpu.region"() ({
        %run_scoped3A = tpu.sem_alloc : memref<!tpu.dma_semaphore, #tpu.memory_space<semaphore_mem>>
        %dma_start3A = tpu.memref_slice %arg4[%multiple_of3A] : memref<320000xi32, #tpu.memory_space<hbm>> -> memref<128xi32, #tpu.memory_space<hbm>>
        %dma_start3A_21 = tpu.memref_slice %arg4[%multiple_of3A] : memref<320000xi32, #tpu.memory_space<hbm>> -> memref<128xi32, #tpu.memory_space<hbm>>
        tpu.enqueue_dma source(%dma_start3A_21 : memref<128xi32, #tpu.memory_space<hbm>>) target(%arg8 : memref<128xi32, #tpu.memory_space<vmem>>) target_semaphore(%run_scoped3A : memref<!tpu.dma_semaphore, #tpu.memory_space<semaphore_mem>>)
        %dma_wait3A = tpu.memref_slice %arg4[%multiple_of3A] : memref<320000xi32, #tpu.memory_space<hbm>> -> memref<128xi32, #tpu.memory_space<hbm>>
        %dma_wait3A_22 = tpu.memref_slice %arg4[%multiple_of3A] : memref<320000xi32, #tpu.memory_space<hbm>> -> memref<128xi32, #tpu.memory_space<hbm>>
        tpu.wait_dma2 semaphore(%run_scoped3A : memref<!tpu.dma_semaphore, #tpu.memory_space<semaphore_mem>>) src(%dma_wait3A_22 : memref<128xi32, #tpu.memory_space<hbm>>) dst(%arg8 : memref<128xi32, #tpu.memory_space<vmem>>)
        tpu.yield
      }) : () -> ()
      "tpu.region"() ({
        %run_scoped3A = tpu.sem_alloc : memref<!tpu.dma_semaphore, #tpu.memory_space<semaphore_mem>>
        %dma_start3A = tpu.memref_slice %arg5[%multiple_of3A] : memref<320000xi32, #tpu.memory_space<hbm>> -> memref<128xi32, #tpu.memory_space<hbm>>
        %dma_start3A_21 = tpu.memref_slice %arg5[%multiple_of3A] : memref<320000xi32, #tpu.memory_space<hbm>> -> memref<128xi32, #tpu.memory_space<hbm>>
        tpu.enqueue_dma source(%dma_start3A_21 : memref<128xi32, #tpu.memory_space<hbm>>) target(%arg9 : memref<128xi32, #tpu.memory_space<vmem>>) target_semaphore(%run_scoped3A : memref<!tpu.dma_semaphore, #tpu.memory_space<semaphore_mem>>)
        %dma_wait3A = tpu.memref_slice %arg5[%multiple_of3A] : memref<320000xi32, #tpu.memory_space<hbm>> -> memref<128xi32, #tpu.memory_space<hbm>>
        %dma_wait3A_22 = tpu.memref_slice %arg5[%multiple_of3A] : memref<320000xi32, #tpu.memory_space<hbm>> -> memref<128xi32, #tpu.memory_space<hbm>>
        tpu.wait_dma2 semaphore(%run_scoped3A : memref<!tpu.dma_semaphore, #tpu.memory_space<semaphore_mem>>) src(%dma_wait3A_22 : memref<128xi32, #tpu.memory_space<hbm>>) dst(%arg9 : memref<128xi32, #tpu.memory_space<vmem>>)
        tpu.yield
      }) : () -> ()
      "tpu.region"() ({
        %run_scoped3A = tpu.sem_alloc : memref<!tpu.dma_semaphore, #tpu.memory_space<semaphore_mem>>
        %dma_start3A = arith.constant 0 : i32
        %dma_start3A_21 = arith.constant 0 : i32
        %dma_start3A_22 = tpu.memref_slice %arg2[%dma_start3A, %dma_start3A_21] : memref<10000x128xf32, #tpu.memory_space<hbm>> -> memref<10000x128xf32, #tpu.memory_space<hbm>>
        tpu.enqueue_indirect_dma source(%dma_start3A_22 : memref<10000x128xf32, #tpu.memory_space<hbm>>) target(%arg7 : memref<128x128xf32, #tpu.memory_space<vmem>>) offsets(%arg8 : memref<128xi32, #tpu.memory_space<vmem>>) semaphore(%run_scoped3A : memref<!tpu.dma_semaphore, #tpu.memory_space<semaphore_mem>>)
        %dma_wait3A = arith.constant 0 : i32
        %dma_wait3A_23 = arith.constant 0 : i32
        %dma_wait3A_24 = tpu.memref_slice %arg2[%dma_wait3A, %dma_wait3A_23] : memref<10000x128xf32, #tpu.memory_space<hbm>> -> memref<10000x128xf32, #tpu.memory_space<hbm>>
        tpu.wait_indirect_dma semaphore(%run_scoped3A : memref<!tpu.dma_semaphore, #tpu.memory_space<semaphore_mem>>) src(%dma_wait3A_24 : memref<10000x128xf32, #tpu.memory_space<hbm>>) dst(%arg7 : memref<128x128xf32, #tpu.memory_space<vmem>>)
        tpu.yield
      }) : () -> ()
      "tpu.region"() ({
        %run_scoped3A = tpu.sem_alloc : memref<!tpu.dma_semaphore, #tpu.memory_space<semaphore_mem>>
        %dma_start3A = arith.constant 0 : i32
        %dma_start3A_21 = arith.constant 0 : i32
        %dma_start3A_22 = tpu.memref_slice %arg3[%dma_start3A, %dma_start3A_21] : memref<10000x128xf32, #tpu.memory_space<hbm>> -> memref<10000x128xf32, #tpu.memory_space<hbm>>
        tpu.enqueue_indirect_dma source(%dma_start3A_22 : memref<10000x128xf32, #tpu.memory_space<hbm>>) target(%arg7 : memref<128x128xf32, #tpu.memory_space<vmem>>) offsets(%arg9 : memref<128xi32, #tpu.memory_space<vmem>>) semaphore(%run_scoped3A : memref<!tpu.dma_semaphore, #tpu.memory_space<semaphore_mem>>) {add = true}
        %dma_wait3A = arith.constant 0 : i32
        %dma_wait3A_23 = arith.constant 0 : i32
        %dma_wait3A_24 = tpu.memref_slice %arg3[%dma_wait3A, %dma_wait3A_23] : memref<10000x128xf32, #tpu.memory_space<hbm>> -> memref<10000x128xf32, #tpu.memory_space<hbm>>
        tpu.wait_indirect_dma semaphore(%run_scoped3A : memref<!tpu.dma_semaphore, #tpu.memory_space<semaphore_mem>>) src(%dma_wait3A_24 : memref<10000x128xf32, #tpu.memory_space<hbm>>) dst(%arg7 : memref<128x128xf32, #tpu.memory_space<vmem>>)
        tpu.yield
      }) : () -> ()
      "tpu.region"() ({
        %run_scoped3A = tpu.sem_alloc : memref<!tpu.dma_semaphore, #tpu.memory_space<semaphore_mem>>
        %dma_start3A = arith.constant 0 : i32
        %dma_start3A_21 = tpu.memref_slice %arg6[%multiple_of3A, %dma_start3A] : memref<320000x128xf32, #tpu.memory_space<hbm>> -> memref<128x128xf32, #tpu.memory_space<hbm>>
        %dma_start3A_22 = arith.constant 0 : i32
        %dma_start3A_23 = tpu.memref_slice %arg6[%multiple_of3A, %dma_start3A_22] : memref<320000x128xf32, #tpu.memory_space<hbm>> -> memref<128x128xf32, #tpu.memory_space<hbm>>
        tpu.enqueue_dma source(%arg7 : memref<128x128xf32, #tpu.memory_space<vmem>>) target(%dma_start3A_23 : memref<128x128xf32, #tpu.memory_space<hbm>>) target_semaphore(%run_scoped3A : memref<!tpu.dma_semaphore, #tpu.memory_space<semaphore_mem>>)
        %dma_wait3A = arith.constant 0 : i32
        %dma_wait3A_24 = tpu.memref_slice %arg6[%multiple_of3A, %dma_wait3A] : memref<320000x128xf32, #tpu.memory_space<hbm>> -> memref<128x128xf32, #tpu.memory_space<hbm>>
        %dma_wait3A_25 = arith.constant 0 : i32
        %dma_wait3A_26 = tpu.memref_slice %arg6[%multiple_of3A, %dma_wait3A_25] : memref<320000x128xf32, #tpu.memory_space<hbm>> -> memref<128x128xf32, #tpu.memory_space<hbm>>
        tpu.wait_dma2 semaphore(%run_scoped3A : memref<!tpu.dma_semaphore, #tpu.memory_space<semaphore_mem>>) src(%arg7 : memref<128x128xf32, #tpu.memory_space<vmem>>) dst(%dma_wait3A_26 : memref<128x128xf32, #tpu.memory_space<hbm>>)
        tpu.yield
      }) : () -> ()
    }
    return
  }
}

#map = affine_map<(d0, d1) -> (0, 0)>
#map1 = affine_map<(d0, d1) -> (0)>
#map2 = affine_map<(d0, d1) -> (0, 0, 0)>
module attributes {stable_mosaic.version = 14 : i64} {
  func.func @sc_scatter(%arg0: i32, %arg1: i32, %arg2: memref<320000x128xf32, #tpu.memory_space<hbm>>, %arg3: memref<320000xi32, #tpu.memory_space<hbm>>, %arg4: memref<320000xi32, #tpu.memory_space<hbm>>, %arg5: memref<10000x128xf32, #tpu.memory_space<hbm>>, %arg6: memref<2x10000x128xf32, #tpu.memory_space<hbm>>, %arg7: memref<10000x128xf32, #tpu.memory_space<vmem_shared>>, %arg8: memref<128x128xf32, #tpu.memory_space<vmem>>, %arg9: memref<128xi32, #tpu.memory_space<vmem>>, %arg10: memref<128xi32, #tpu.memory_space<vmem>>, %arg11: memref<80x128xf32, #tpu.memory_space<vmem>>) attributes {dimension_semantics = [#tpu.dimension_semantics<core_parallel>, #tpu.dimension_semantics<subcore_parallel>], iteration_bounds = array<i64: 2, 16>, scalar_prefetch = 0 : i64, scratch_operands = 5 : i64, tpu.core_type = #tpu.core_type<sc_vector_subcore>, window_params = [{transform_indices = #map}, {transform_indices = #map1}, {transform_indices = #map1}, {transform_indices = #map}, {transform_indices = #map2}]} {
    %mul3A = arith.constant 2 : i32
    %mul3A_0 = arith.muli %arg1, %mul3A : i32
    %add3A = arith.addi %mul3A_0, %arg0 : i32
    %sub3A = arith.constant 125 : i32
    %sub3A_1 = arith.subi %sub3A, %arg1 : i32
    %sub3A_2 = arith.constant 16 : i32
    %sub3A_3 = arith.constant 1 : i32
    %sub3A_4 = arith.subi %sub3A_2, %sub3A_3 : i32
    %add3A_5 = arith.addi %sub3A_1, %sub3A_4 : i32
    %div3A = arith.constant 16 : i32
    %div3A_6 = arith.divsi %add3A_5, %div3A : i32
    %while3A = arith.constant 16 : i32
    %while3A_7 = arith.constant 0 : i32
    %while3A_8 = arith.subi %div3A_6, %while3A_7 : i32
    %while3A_9 = arith.addi %while3A_7, %while3A_8 : i32
    %while3A_10 = arith.constant 1 : i32
    %while3A_11 = arith.divsi %while3A_8, %while3A_10 : i32
    %while3A_12 = arith.muli %while3A_11, %while3A_10 : i32
    %while3A_13 = arith.addi %while3A_7, %while3A_12 : i32
    %while3A_14 = arith.constant 1 : i32
    scf.for %while3A_53 = %while3A_7 to %while3A_13 step %while3A_14  : i32 {
      %mul3A_54 = arith.muli %while3A_53, %while3A : i32
      %add3A_55 = arith.addi %arg1, %mul3A_54 : i32
      %mul3A_56 = arith.constant 80 : i32
      %mul3A_57 = arith.muli %add3A_55, %mul3A_56 : i32
      %multiple_of3A = tpu.assume_multiple %mul3A_57, 80 : i32
      "tpu.region"() ({
        %run_scoped3A = tpu.sem_alloc : memref<!tpu.dma_semaphore, #tpu.memory_space<semaphore_mem>>
        %dma_start3A = arith.constant 0 : i32
        %dma_start3A_58 = tpu.memref_slice %arg5[%multiple_of3A, %dma_start3A] : memref<10000x128xf32, #tpu.memory_space<hbm>> -> memref<80x128xf32, #tpu.memory_space<hbm>>
        %dma_start3A_59 = arith.constant 0 : i32
        %dma_start3A_60 = tpu.memref_slice %arg5[%multiple_of3A, %dma_start3A_59] : memref<10000x128xf32, #tpu.memory_space<hbm>> -> memref<80x128xf32, #tpu.memory_space<hbm>>
        tpu.enqueue_dma source(%dma_start3A_60 : memref<80x128xf32, #tpu.memory_space<hbm>>) target(%arg11 : memref<80x128xf32, #tpu.memory_space<vmem>>) target_semaphore(%run_scoped3A : memref<!tpu.dma_semaphore, #tpu.memory_space<semaphore_mem>>)
        %dma_wait3A = arith.constant 0 : i32
        %dma_wait3A_61 = tpu.memref_slice %arg5[%multiple_of3A, %dma_wait3A] : memref<10000x128xf32, #tpu.memory_space<hbm>> -> memref<80x128xf32, #tpu.memory_space<hbm>>
        %dma_wait3A_62 = arith.constant 0 : i32
        %dma_wait3A_63 = tpu.memref_slice %arg5[%multiple_of3A, %dma_wait3A_62] : memref<10000x128xf32, #tpu.memory_space<hbm>> -> memref<80x128xf32, #tpu.memory_space<hbm>>
        tpu.wait_dma2 semaphore(%run_scoped3A : memref<!tpu.dma_semaphore, #tpu.memory_space<semaphore_mem>>) src(%dma_wait3A_63 : memref<80x128xf32, #tpu.memory_space<hbm>>) dst(%arg11 : memref<80x128xf32, #tpu.memory_space<vmem>>)
        tpu.yield
      }) : () -> ()
      "tpu.region"() ({
        %run_scoped3A = tpu.sem_alloc : memref<!tpu.dma_semaphore, #tpu.memory_space<semaphore_mem>>
        %dma_start3A = arith.constant 0 : i32
        %dma_start3A_58 = tpu.memref_slice %arg7[%multiple_of3A, %dma_start3A] : memref<10000x128xf32, #tpu.memory_space<vmem_shared>> -> memref<80x128xf32, #tpu.memory_space<vmem_shared>>
        %dma_start3A_59 = arith.constant 0 : i32
        %dma_start3A_60 = tpu.memref_slice %arg7[%multiple_of3A, %dma_start3A_59] : memref<10000x128xf32, #tpu.memory_space<vmem_shared>> -> memref<80x128xf32, #tpu.memory_space<vmem_shared>>
        tpu.enqueue_dma source(%arg11 : memref<80x128xf32, #tpu.memory_space<vmem>>) target(%dma_start3A_60 : memref<80x128xf32, #tpu.memory_space<vmem_shared>>) target_semaphore(%run_scoped3A : memref<!tpu.dma_semaphore, #tpu.memory_space<semaphore_mem>>)
        %dma_wait3A = arith.constant 0 : i32
        %dma_wait3A_61 = tpu.memref_slice %arg7[%multiple_of3A, %dma_wait3A] : memref<10000x128xf32, #tpu.memory_space<vmem_shared>> -> memref<80x128xf32, #tpu.memory_space<vmem_shared>>
        %dma_wait3A_62 = arith.constant 0 : i32
        %dma_wait3A_63 = tpu.memref_slice %arg7[%multiple_of3A, %dma_wait3A_62] : memref<10000x128xf32, #tpu.memory_space<vmem_shared>> -> memref<80x128xf32, #tpu.memory_space<vmem_shared>>
        tpu.wait_dma2 semaphore(%run_scoped3A : memref<!tpu.dma_semaphore, #tpu.memory_space<semaphore_mem>>) src(%arg11 : memref<80x128xf32, #tpu.memory_space<vmem>>) dst(%dma_wait3A_63 : memref<80x128xf32, #tpu.memory_space<vmem_shared>>)
        tpu.yield
      }) : () -> ()
    }
    %while3A_15 = arith.constant 1 : i32
    scf.for %while3A_53 = %while3A_13 to %while3A_9 step %while3A_15  : i32 {
      %mul3A_54 = arith.muli %while3A_53, %while3A : i32
      %add3A_55 = arith.addi %arg1, %mul3A_54 : i32
      %mul3A_56 = arith.constant 80 : i32
      %mul3A_57 = arith.muli %add3A_55, %mul3A_56 : i32
      %multiple_of3A = tpu.assume_multiple %mul3A_57, 80 : i32
      "tpu.region"() ({
        %run_scoped3A = tpu.sem_alloc : memref<!tpu.dma_semaphore, #tpu.memory_space<semaphore_mem>>
        %dma_start3A = arith.constant 0 : i32
        %dma_start3A_58 = tpu.memref_slice %arg5[%multiple_of3A, %dma_start3A] : memref<10000x128xf32, #tpu.memory_space<hbm>> -> memref<80x128xf32, #tpu.memory_space<hbm>>
        %dma_start3A_59 = arith.constant 0 : i32
        %dma_start3A_60 = tpu.memref_slice %arg5[%multiple_of3A, %dma_start3A_59] : memref<10000x128xf32, #tpu.memory_space<hbm>> -> memref<80x128xf32, #tpu.memory_space<hbm>>
        tpu.enqueue_dma source(%dma_start3A_60 : memref<80x128xf32, #tpu.memory_space<hbm>>) target(%arg11 : memref<80x128xf32, #tpu.memory_space<vmem>>) target_semaphore(%run_scoped3A : memref<!tpu.dma_semaphore, #tpu.memory_space<semaphore_mem>>)
        %dma_wait3A = arith.constant 0 : i32
        %dma_wait3A_61 = tpu.memref_slice %arg5[%multiple_of3A, %dma_wait3A] : memref<10000x128xf32, #tpu.memory_space<hbm>> -> memref<80x128xf32, #tpu.memory_space<hbm>>
        %dma_wait3A_62 = arith.constant 0 : i32
        %dma_wait3A_63 = tpu.memref_slice %arg5[%multiple_of3A, %dma_wait3A_62] : memref<10000x128xf32, #tpu.memory_space<hbm>> -> memref<80x128xf32, #tpu.memory_space<hbm>>
        tpu.wait_dma2 semaphore(%run_scoped3A : memref<!tpu.dma_semaphore, #tpu.memory_space<semaphore_mem>>) src(%dma_wait3A_63 : memref<80x128xf32, #tpu.memory_space<hbm>>) dst(%arg11 : memref<80x128xf32, #tpu.memory_space<vmem>>)
        tpu.yield
      }) : () -> ()
      "tpu.region"() ({
        %run_scoped3A = tpu.sem_alloc : memref<!tpu.dma_semaphore, #tpu.memory_space<semaphore_mem>>
        %dma_start3A = arith.constant 0 : i32
        %dma_start3A_58 = tpu.memref_slice %arg7[%multiple_of3A, %dma_start3A] : memref<10000x128xf32, #tpu.memory_space<vmem_shared>> -> memref<80x128xf32, #tpu.memory_space<vmem_shared>>
        %dma_start3A_59 = arith.constant 0 : i32
        %dma_start3A_60 = tpu.memref_slice %arg7[%multiple_of3A, %dma_start3A_59] : memref<10000x128xf32, #tpu.memory_space<vmem_shared>> -> memref<80x128xf32, #tpu.memory_space<vmem_shared>>
        tpu.enqueue_dma source(%arg11 : memref<80x128xf32, #tpu.memory_space<vmem>>) target(%dma_start3A_60 : memref<80x128xf32, #tpu.memory_space<vmem_shared>>) target_semaphore(%run_scoped3A : memref<!tpu.dma_semaphore, #tpu.memory_space<semaphore_mem>>)
        %dma_wait3A = arith.constant 0 : i32
        %dma_wait3A_61 = tpu.memref_slice %arg7[%multiple_of3A, %dma_wait3A] : memref<10000x128xf32, #tpu.memory_space<vmem_shared>> -> memref<80x128xf32, #tpu.memory_space<vmem_shared>>
        %dma_wait3A_62 = arith.constant 0 : i32
        %dma_wait3A_63 = tpu.memref_slice %arg7[%multiple_of3A, %dma_wait3A_62] : memref<10000x128xf32, #tpu.memory_space<vmem_shared>> -> memref<80x128xf32, #tpu.memory_space<vmem_shared>>
        tpu.wait_dma2 semaphore(%run_scoped3A : memref<!tpu.dma_semaphore, #tpu.memory_space<semaphore_mem>>) src(%arg11 : memref<80x128xf32, #tpu.memory_space<vmem>>) dst(%dma_wait3A_63 : memref<80x128xf32, #tpu.memory_space<vmem_shared>>)
        tpu.yield
      }) : () -> ()
    }
    %barrier3A = arith.constant 0 : index
    tpu.barrier barrier_id(%barrier3A)
    %sub3A_16 = arith.constant 2500 : i32
    %sub3A_17 = arith.subi %sub3A_16, %add3A : i32
    %sub3A_18 = arith.constant 32 : i32
    %sub3A_19 = arith.constant 1 : i32
    %sub3A_20 = arith.subi %sub3A_18, %sub3A_19 : i32
    %add3A_21 = arith.addi %sub3A_17, %sub3A_20 : i32
    %div3A_22 = arith.constant 32 : i32
    %div3A_23 = arith.divsi %add3A_21, %div3A_22 : i32
    %while3A_24 = arith.constant 32 : i32
    %while3A_25 = arith.constant 0 : i32
    %while3A_26 = arith.subi %div3A_23, %while3A_25 : i32
    %while3A_27 = arith.addi %while3A_25, %while3A_26 : i32
    %while3A_28 = arith.constant 1 : i32
    %while3A_29 = arith.divsi %while3A_26, %while3A_28 : i32
    %while3A_30 = arith.muli %while3A_29, %while3A_28 : i32
    %while3A_31 = arith.addi %while3A_25, %while3A_30 : i32
    %while3A_32 = arith.constant 1 : i32
    scf.for %while3A_53 = %while3A_25 to %while3A_31 step %while3A_32  : i32 {
      %mul3A_54 = arith.muli %while3A_53, %while3A_24 : i32
      %add3A_55 = arith.addi %add3A, %mul3A_54 : i32
      %mul3A_56 = arith.constant 128 : i32
      %mul3A_57 = arith.muli %add3A_55, %mul3A_56 : i32
      %multiple_of3A = tpu.assume_multiple %mul3A_57, 128 : i32
      "tpu.region"() ({
        %run_scoped3A = tpu.sem_alloc : memref<!tpu.dma_semaphore, #tpu.memory_space<semaphore_mem>>
        %dma_start3A = arith.constant 0 : i32
        %dma_start3A_58 = tpu.memref_slice %arg2[%multiple_of3A, %dma_start3A] : memref<320000x128xf32, #tpu.memory_space<hbm>> -> memref<128x128xf32, #tpu.memory_space<hbm>>
        %dma_start3A_59 = arith.constant 0 : i32
        %dma_start3A_60 = tpu.memref_slice %arg2[%multiple_of3A, %dma_start3A_59] : memref<320000x128xf32, #tpu.memory_space<hbm>> -> memref<128x128xf32, #tpu.memory_space<hbm>>
        tpu.enqueue_dma source(%dma_start3A_60 : memref<128x128xf32, #tpu.memory_space<hbm>>) target(%arg8 : memref<128x128xf32, #tpu.memory_space<vmem>>) target_semaphore(%run_scoped3A : memref<!tpu.dma_semaphore, #tpu.memory_space<semaphore_mem>>)
        %dma_wait3A = arith.constant 0 : i32
        %dma_wait3A_61 = tpu.memref_slice %arg2[%multiple_of3A, %dma_wait3A] : memref<320000x128xf32, #tpu.memory_space<hbm>> -> memref<128x128xf32, #tpu.memory_space<hbm>>
        %dma_wait3A_62 = arith.constant 0 : i32
        %dma_wait3A_63 = tpu.memref_slice %arg2[%multiple_of3A, %dma_wait3A_62] : memref<320000x128xf32, #tpu.memory_space<hbm>> -> memref<128x128xf32, #tpu.memory_space<hbm>>
        tpu.wait_dma2 semaphore(%run_scoped3A : memref<!tpu.dma_semaphore, #tpu.memory_space<semaphore_mem>>) src(%dma_wait3A_63 : memref<128x128xf32, #tpu.memory_space<hbm>>) dst(%arg8 : memref<128x128xf32, #tpu.memory_space<vmem>>)
        tpu.yield
      }) : () -> ()
      "tpu.region"() ({
        %run_scoped3A = tpu.sem_alloc : memref<!tpu.dma_semaphore, #tpu.memory_space<semaphore_mem>>
        %dma_start3A = tpu.memref_slice %arg3[%multiple_of3A] : memref<320000xi32, #tpu.memory_space<hbm>> -> memref<128xi32, #tpu.memory_space<hbm>>
        %dma_start3A_58 = tpu.memref_slice %arg3[%multiple_of3A] : memref<320000xi32, #tpu.memory_space<hbm>> -> memref<128xi32, #tpu.memory_space<hbm>>
        tpu.enqueue_dma source(%dma_start3A_58 : memref<128xi32, #tpu.memory_space<hbm>>) target(%arg9 : memref<128xi32, #tpu.memory_space<vmem>>) target_semaphore(%run_scoped3A : memref<!tpu.dma_semaphore, #tpu.memory_space<semaphore_mem>>)
        %dma_wait3A = tpu.memref_slice %arg3[%multiple_of3A] : memref<320000xi32, #tpu.memory_space<hbm>> -> memref<128xi32, #tpu.memory_space<hbm>>
        %dma_wait3A_59 = tpu.memref_slice %arg3[%multiple_of3A] : memref<320000xi32, #tpu.memory_space<hbm>> -> memref<128xi32, #tpu.memory_space<hbm>>
        tpu.wait_dma2 semaphore(%run_scoped3A : memref<!tpu.dma_semaphore, #tpu.memory_space<semaphore_mem>>) src(%dma_wait3A_59 : memref<128xi32, #tpu.memory_space<hbm>>) dst(%arg9 : memref<128xi32, #tpu.memory_space<vmem>>)
        tpu.yield
      }) : () -> ()
      "tpu.region"() ({
        %run_scoped3A = tpu.sem_alloc : memref<!tpu.dma_semaphore, #tpu.memory_space<semaphore_mem>>
        %dma_start3A = tpu.memref_slice %arg4[%multiple_of3A] : memref<320000xi32, #tpu.memory_space<hbm>> -> memref<128xi32, #tpu.memory_space<hbm>>
        %dma_start3A_58 = tpu.memref_slice %arg4[%multiple_of3A] : memref<320000xi32, #tpu.memory_space<hbm>> -> memref<128xi32, #tpu.memory_space<hbm>>
        tpu.enqueue_dma source(%dma_start3A_58 : memref<128xi32, #tpu.memory_space<hbm>>) target(%arg10 : memref<128xi32, #tpu.memory_space<vmem>>) target_semaphore(%run_scoped3A : memref<!tpu.dma_semaphore, #tpu.memory_space<semaphore_mem>>)
        %dma_wait3A = tpu.memref_slice %arg4[%multiple_of3A] : memref<320000xi32, #tpu.memory_space<hbm>> -> memref<128xi32, #tpu.memory_space<hbm>>
        %dma_wait3A_59 = tpu.memref_slice %arg4[%multiple_of3A] : memref<320000xi32, #tpu.memory_space<hbm>> -> memref<128xi32, #tpu.memory_space<hbm>>
        tpu.wait_dma2 semaphore(%run_scoped3A : memref<!tpu.dma_semaphore, #tpu.memory_space<semaphore_mem>>) src(%dma_wait3A_59 : memref<128xi32, #tpu.memory_space<hbm>>) dst(%arg10 : memref<128xi32, #tpu.memory_space<vmem>>)
        tpu.yield
      }) : () -> ()
      "tpu.region"() ({
        %run_scoped3A = tpu.sem_alloc : memref<!tpu.dma_semaphore, #tpu.memory_space<semaphore_mem>>
        %dma_start3A = arith.constant 0 : i32
        %dma_start3A_58 = arith.constant 0 : i32
        %dma_start3A_59 = tpu.memref_slice %arg7[%dma_start3A, %dma_start3A_58] : memref<10000x128xf32, #tpu.memory_space<vmem_shared>> -> memref<10000x128xf32, #tpu.memory_space<vmem_shared>>
        tpu.enqueue_indirect_dma source(%arg8 : memref<128x128xf32, #tpu.memory_space<vmem>>) target(%dma_start3A_59 : memref<10000x128xf32, #tpu.memory_space<vmem_shared>>) offsets(%arg9 : memref<128xi32, #tpu.memory_space<vmem>>) semaphore(%run_scoped3A : memref<!tpu.dma_semaphore, #tpu.memory_space<semaphore_mem>>) {add = true}
        %dma_wait3A = arith.constant 0 : i32
        %dma_wait3A_60 = arith.constant 0 : i32
        %dma_wait3A_61 = tpu.memref_slice %arg7[%dma_wait3A, %dma_wait3A_60] : memref<10000x128xf32, #tpu.memory_space<vmem_shared>> -> memref<10000x128xf32, #tpu.memory_space<vmem_shared>>
        tpu.wait_indirect_dma semaphore(%run_scoped3A : memref<!tpu.dma_semaphore, #tpu.memory_space<semaphore_mem>>) src(%arg8 : memref<128x128xf32, #tpu.memory_space<vmem>>) dst(%dma_wait3A_61 : memref<10000x128xf32, #tpu.memory_space<vmem_shared>>)
        tpu.yield
      }) : () -> ()
      "tpu.region"() ({
        %run_scoped3A = tpu.sem_alloc : memref<!tpu.dma_semaphore, #tpu.memory_space<semaphore_mem>>
        %dma_start3A = arith.constant 0 : i32
        %dma_start3A_58 = arith.constant 0 : i32
        %dma_start3A_59 = tpu.memref_slice %arg7[%dma_start3A, %dma_start3A_58] : memref<10000x128xf32, #tpu.memory_space<vmem_shared>> -> memref<10000x128xf32, #tpu.memory_space<vmem_shared>>
        tpu.enqueue_indirect_dma source(%arg8 : memref<128x128xf32, #tpu.memory_space<vmem>>) target(%dma_start3A_59 : memref<10000x128xf32, #tpu.memory_space<vmem_shared>>) offsets(%arg10 : memref<128xi32, #tpu.memory_space<vmem>>) semaphore(%run_scoped3A : memref<!tpu.dma_semaphore, #tpu.memory_space<semaphore_mem>>) {add = true}
        %dma_wait3A = arith.constant 0 : i32
        %dma_wait3A_60 = arith.constant 0 : i32
        %dma_wait3A_61 = tpu.memref_slice %arg7[%dma_wait3A, %dma_wait3A_60] : memref<10000x128xf32, #tpu.memory_space<vmem_shared>> -> memref<10000x128xf32, #tpu.memory_space<vmem_shared>>
        tpu.wait_indirect_dma semaphore(%run_scoped3A : memref<!tpu.dma_semaphore, #tpu.memory_space<semaphore_mem>>) src(%arg8 : memref<128x128xf32, #tpu.memory_space<vmem>>) dst(%dma_wait3A_61 : memref<10000x128xf32, #tpu.memory_space<vmem_shared>>)
        tpu.yield
      }) : () -> ()
    }
    %while3A_33 = arith.constant 1 : i32
    scf.for %while3A_53 = %while3A_31 to %while3A_27 step %while3A_33  : i32 {
      %mul3A_54 = arith.muli %while3A_53, %while3A_24 : i32
      %add3A_55 = arith.addi %add3A, %mul3A_54 : i32
      %mul3A_56 = arith.constant 128 : i32
      %mul3A_57 = arith.muli %add3A_55, %mul3A_56 : i32
      %multiple_of3A = tpu.assume_multiple %mul3A_57, 128 : i32
      "tpu.region"() ({
        %run_scoped3A = tpu.sem_alloc : memref<!tpu.dma_semaphore, #tpu.memory_space<semaphore_mem>>
        %dma_start3A = arith.constant 0 : i32
        %dma_start3A_58 = tpu.memref_slice %arg2[%multiple_of3A, %dma_start3A] : memref<320000x128xf32, #tpu.memory_space<hbm>> -> memref<128x128xf32, #tpu.memory_space<hbm>>
        %dma_start3A_59 = arith.constant 0 : i32
        %dma_start3A_60 = tpu.memref_slice %arg2[%multiple_of3A, %dma_start3A_59] : memref<320000x128xf32, #tpu.memory_space<hbm>> -> memref<128x128xf32, #tpu.memory_space<hbm>>
        tpu.enqueue_dma source(%dma_start3A_60 : memref<128x128xf32, #tpu.memory_space<hbm>>) target(%arg8 : memref<128x128xf32, #tpu.memory_space<vmem>>) target_semaphore(%run_scoped3A : memref<!tpu.dma_semaphore, #tpu.memory_space<semaphore_mem>>)
        %dma_wait3A = arith.constant 0 : i32
        %dma_wait3A_61 = tpu.memref_slice %arg2[%multiple_of3A, %dma_wait3A] : memref<320000x128xf32, #tpu.memory_space<hbm>> -> memref<128x128xf32, #tpu.memory_space<hbm>>
        %dma_wait3A_62 = arith.constant 0 : i32
        %dma_wait3A_63 = tpu.memref_slice %arg2[%multiple_of3A, %dma_wait3A_62] : memref<320000x128xf32, #tpu.memory_space<hbm>> -> memref<128x128xf32, #tpu.memory_space<hbm>>
        tpu.wait_dma2 semaphore(%run_scoped3A : memref<!tpu.dma_semaphore, #tpu.memory_space<semaphore_mem>>) src(%dma_wait3A_63 : memref<128x128xf32, #tpu.memory_space<hbm>>) dst(%arg8 : memref<128x128xf32, #tpu.memory_space<vmem>>)
        tpu.yield
      }) : () -> ()
      "tpu.region"() ({
        %run_scoped3A = tpu.sem_alloc : memref<!tpu.dma_semaphore, #tpu.memory_space<semaphore_mem>>
        %dma_start3A = tpu.memref_slice %arg3[%multiple_of3A] : memref<320000xi32, #tpu.memory_space<hbm>> -> memref<128xi32, #tpu.memory_space<hbm>>
        %dma_start3A_58 = tpu.memref_slice %arg3[%multiple_of3A] : memref<320000xi32, #tpu.memory_space<hbm>> -> memref<128xi32, #tpu.memory_space<hbm>>
        tpu.enqueue_dma source(%dma_start3A_58 : memref<128xi32, #tpu.memory_space<hbm>>) target(%arg9 : memref<128xi32, #tpu.memory_space<vmem>>) target_semaphore(%run_scoped3A : memref<!tpu.dma_semaphore, #tpu.memory_space<semaphore_mem>>)
        %dma_wait3A = tpu.memref_slice %arg3[%multiple_of3A] : memref<320000xi32, #tpu.memory_space<hbm>> -> memref<128xi32, #tpu.memory_space<hbm>>
        %dma_wait3A_59 = tpu.memref_slice %arg3[%multiple_of3A] : memref<320000xi32, #tpu.memory_space<hbm>> -> memref<128xi32, #tpu.memory_space<hbm>>
        tpu.wait_dma2 semaphore(%run_scoped3A : memref<!tpu.dma_semaphore, #tpu.memory_space<semaphore_mem>>) src(%dma_wait3A_59 : memref<128xi32, #tpu.memory_space<hbm>>) dst(%arg9 : memref<128xi32, #tpu.memory_space<vmem>>)
        tpu.yield
      }) : () -> ()
      "tpu.region"() ({
        %run_scoped3A = tpu.sem_alloc : memref<!tpu.dma_semaphore, #tpu.memory_space<semaphore_mem>>
        %dma_start3A = tpu.memref_slice %arg4[%multiple_of3A] : memref<320000xi32, #tpu.memory_space<hbm>> -> memref<128xi32, #tpu.memory_space<hbm>>
        %dma_start3A_58 = tpu.memref_slice %arg4[%multiple_of3A] : memref<320000xi32, #tpu.memory_space<hbm>> -> memref<128xi32, #tpu.memory_space<hbm>>
        tpu.enqueue_dma source(%dma_start3A_58 : memref<128xi32, #tpu.memory_space<hbm>>) target(%arg10 : memref<128xi32, #tpu.memory_space<vmem>>) target_semaphore(%run_scoped3A : memref<!tpu.dma_semaphore, #tpu.memory_space<semaphore_mem>>)
        %dma_wait3A = tpu.memref_slice %arg4[%multiple_of3A] : memref<320000xi32, #tpu.memory_space<hbm>> -> memref<128xi32, #tpu.memory_space<hbm>>
        %dma_wait3A_59 = tpu.memref_slice %arg4[%multiple_of3A] : memref<320000xi32, #tpu.memory_space<hbm>> -> memref<128xi32, #tpu.memory_space<hbm>>
        tpu.wait_dma2 semaphore(%run_scoped3A : memref<!tpu.dma_semaphore, #tpu.memory_space<semaphore_mem>>) src(%dma_wait3A_59 : memref<128xi32, #tpu.memory_space<hbm>>) dst(%arg10 : memref<128xi32, #tpu.memory_space<vmem>>)
        tpu.yield
      }) : () -> ()
      "tpu.region"() ({
        %run_scoped3A = tpu.sem_alloc : memref<!tpu.dma_semaphore, #tpu.memory_space<semaphore_mem>>
        %dma_start3A = arith.constant 0 : i32
        %dma_start3A_58 = arith.constant 0 : i32
        %dma_start3A_59 = tpu.memref_slice %arg7[%dma_start3A, %dma_start3A_58] : memref<10000x128xf32, #tpu.memory_space<vmem_shared>> -> memref<10000x128xf32, #tpu.memory_space<vmem_shared>>
        tpu.enqueue_indirect_dma source(%arg8 : memref<128x128xf32, #tpu.memory_space<vmem>>) target(%dma_start3A_59 : memref<10000x128xf32, #tpu.memory_space<vmem_shared>>) offsets(%arg9 : memref<128xi32, #tpu.memory_space<vmem>>) semaphore(%run_scoped3A : memref<!tpu.dma_semaphore, #tpu.memory_space<semaphore_mem>>) {add = true}
        %dma_wait3A = arith.constant 0 : i32
        %dma_wait3A_60 = arith.constant 0 : i32
        %dma_wait3A_61 = tpu.memref_slice %arg7[%dma_wait3A, %dma_wait3A_60] : memref<10000x128xf32, #tpu.memory_space<vmem_shared>> -> memref<10000x128xf32, #tpu.memory_space<vmem_shared>>
        tpu.wait_indirect_dma semaphore(%run_scoped3A : memref<!tpu.dma_semaphore, #tpu.memory_space<semaphore_mem>>) src(%arg8 : memref<128x128xf32, #tpu.memory_space<vmem>>) dst(%dma_wait3A_61 : memref<10000x128xf32, #tpu.memory_space<vmem_shared>>)
        tpu.yield
      }) : () -> ()
      "tpu.region"() ({
        %run_scoped3A = tpu.sem_alloc : memref<!tpu.dma_semaphore, #tpu.memory_space<semaphore_mem>>
        %dma_start3A = arith.constant 0 : i32
        %dma_start3A_58 = arith.constant 0 : i32
        %dma_start3A_59 = tpu.memref_slice %arg7[%dma_start3A, %dma_start3A_58] : memref<10000x128xf32, #tpu.memory_space<vmem_shared>> -> memref<10000x128xf32, #tpu.memory_space<vmem_shared>>
        tpu.enqueue_indirect_dma source(%arg8 : memref<128x128xf32, #tpu.memory_space<vmem>>) target(%dma_start3A_59 : memref<10000x128xf32, #tpu.memory_space<vmem_shared>>) offsets(%arg10 : memref<128xi32, #tpu.memory_space<vmem>>) semaphore(%run_scoped3A : memref<!tpu.dma_semaphore, #tpu.memory_space<semaphore_mem>>) {add = true}
        %dma_wait3A = arith.constant 0 : i32
        %dma_wait3A_60 = arith.constant 0 : i32
        %dma_wait3A_61 = tpu.memref_slice %arg7[%dma_wait3A, %dma_wait3A_60] : memref<10000x128xf32, #tpu.memory_space<vmem_shared>> -> memref<10000x128xf32, #tpu.memory_space<vmem_shared>>
        tpu.wait_indirect_dma semaphore(%run_scoped3A : memref<!tpu.dma_semaphore, #tpu.memory_space<semaphore_mem>>) src(%arg8 : memref<128x128xf32, #tpu.memory_space<vmem>>) dst(%dma_wait3A_61 : memref<10000x128xf32, #tpu.memory_space<vmem_shared>>)
        tpu.yield
      }) : () -> ()
    }
    %barrier3A_34 = arith.constant 0 : index
    tpu.barrier barrier_id(%barrier3A_34)
    %sub3A_35 = arith.constant 125 : i32
    %sub3A_36 = arith.subi %sub3A_35, %arg1 : i32
    %sub3A_37 = arith.constant 16 : i32
    %sub3A_38 = arith.constant 1 : i32
    %sub3A_39 = arith.subi %sub3A_37, %sub3A_38 : i32
    %add3A_40 = arith.addi %sub3A_36, %sub3A_39 : i32
    %div3A_41 = arith.constant 16 : i32
    %div3A_42 = arith.divsi %add3A_40, %div3A_41 : i32
    %while3A_43 = arith.constant 16 : i32
    %while3A_44 = arith.constant 0 : i32
    %while3A_45 = arith.subi %div3A_42, %while3A_44 : i32
    %while3A_46 = arith.addi %while3A_44, %while3A_45 : i32
    %while3A_47 = arith.constant 1 : i32
    %while3A_48 = arith.divsi %while3A_45, %while3A_47 : i32
    %while3A_49 = arith.muli %while3A_48, %while3A_47 : i32
    %while3A_50 = arith.addi %while3A_44, %while3A_49 : i32
    %while3A_51 = arith.constant 1 : i32
    scf.for %while3A_53 = %while3A_44 to %while3A_50 step %while3A_51  : i32 {
      %mul3A_54 = arith.muli %while3A_53, %while3A_43 : i32
      %add3A_55 = arith.addi %arg1, %mul3A_54 : i32
      %mul3A_56 = arith.constant 80 : i32
      %mul3A_57 = arith.muli %add3A_55, %mul3A_56 : i32
      %multiple_of3A = tpu.assume_multiple %mul3A_57, 80 : i32
      "tpu.region"() ({
        %run_scoped3A = tpu.sem_alloc : memref<!tpu.dma_semaphore, #tpu.memory_space<semaphore_mem>>
        %dma_start3A = arith.constant 0 : i32
        %dma_start3A_58 = tpu.memref_slice %arg7[%multiple_of3A, %dma_start3A] : memref<10000x128xf32, #tpu.memory_space<vmem_shared>> -> memref<80x128xf32, #tpu.memory_space<vmem_shared>>
        %dma_start3A_59 = arith.constant 0 : i32
        %dma_start3A_60 = tpu.memref_slice %arg7[%multiple_of3A, %dma_start3A_59] : memref<10000x128xf32, #tpu.memory_space<vmem_shared>> -> memref<80x128xf32, #tpu.memory_space<vmem_shared>>
        tpu.enqueue_dma source(%dma_start3A_60 : memref<80x128xf32, #tpu.memory_space<vmem_shared>>) target(%arg11 : memref<80x128xf32, #tpu.memory_space<vmem>>) target_semaphore(%run_scoped3A : memref<!tpu.dma_semaphore, #tpu.memory_space<semaphore_mem>>)
        %dma_wait3A = arith.constant 0 : i32
        %dma_wait3A_61 = tpu.memref_slice %arg7[%multiple_of3A, %dma_wait3A] : memref<10000x128xf32, #tpu.memory_space<vmem_shared>> -> memref<80x128xf32, #tpu.memory_space<vmem_shared>>
        %dma_wait3A_62 = arith.constant 0 : i32
        %dma_wait3A_63 = tpu.memref_slice %arg7[%multiple_of3A, %dma_wait3A_62] : memref<10000x128xf32, #tpu.memory_space<vmem_shared>> -> memref<80x128xf32, #tpu.memory_space<vmem_shared>>
        tpu.wait_dma2 semaphore(%run_scoped3A : memref<!tpu.dma_semaphore, #tpu.memory_space<semaphore_mem>>) src(%dma_wait3A_63 : memref<80x128xf32, #tpu.memory_space<vmem_shared>>) dst(%arg11 : memref<80x128xf32, #tpu.memory_space<vmem>>)
        tpu.yield
      }) : () -> ()
      "tpu.region"() ({
        %run_scoped3A = tpu.sem_alloc : memref<!tpu.dma_semaphore, #tpu.memory_space<semaphore_mem>>
        %dma_start3A = arith.constant 0 : i32
        %dma_start3A_58 = tpu.memref_slice %arg6[%arg0, %multiple_of3A, %dma_start3A] : memref<2x10000x128xf32, #tpu.memory_space<hbm>> -> memref<1x80x128xf32, #tpu.memory_space<hbm>>
        %dma_start3A_59 = tpu.memref_squeeze %dma_start3A_58 : memref<1x80x128xf32, #tpu.memory_space<hbm>> -> memref<80x128xf32, #tpu.memory_space<hbm>>
        %dma_start3A_60 = arith.constant 0 : i32
        %dma_start3A_61 = tpu.memref_slice %arg6[%arg0, %multiple_of3A, %dma_start3A_60] : memref<2x10000x128xf32, #tpu.memory_space<hbm>> -> memref<1x80x128xf32, #tpu.memory_space<hbm>>
        %dma_start3A_62 = tpu.memref_squeeze %dma_start3A_61 : memref<1x80x128xf32, #tpu.memory_space<hbm>> -> memref<80x128xf32, #tpu.memory_space<hbm>>
        tpu.enqueue_dma source(%arg11 : memref<80x128xf32, #tpu.memory_space<vmem>>) target(%dma_start3A_62 : memref<80x128xf32, #tpu.memory_space<hbm>>) target_semaphore(%run_scoped3A : memref<!tpu.dma_semaphore, #tpu.memory_space<semaphore_mem>>)
        %dma_wait3A = arith.constant 0 : i32
        %dma_wait3A_63 = tpu.memref_slice %arg6[%arg0, %multiple_of3A, %dma_wait3A] : memref<2x10000x128xf32, #tpu.memory_space<hbm>> -> memref<1x80x128xf32, #tpu.memory_space<hbm>>
        %dma_wait3A_64 = tpu.memref_squeeze %dma_wait3A_63 : memref<1x80x128xf32, #tpu.memory_space<hbm>> -> memref<80x128xf32, #tpu.memory_space<hbm>>
        %dma_wait3A_65 = arith.constant 0 : i32
        %dma_wait3A_66 = tpu.memref_slice %arg6[%arg0, %multiple_of3A, %dma_wait3A_65] : memref<2x10000x128xf32, #tpu.memory_space<hbm>> -> memref<1x80x128xf32, #tpu.memory_space<hbm>>
        %dma_wait3A_67 = tpu.memref_squeeze %dma_wait3A_66 : memref<1x80x128xf32, #tpu.memory_space<hbm>> -> memref<80x128xf32, #tpu.memory_space<hbm>>
        tpu.wait_dma2 semaphore(%run_scoped3A : memref<!tpu.dma_semaphore, #tpu.memory_space<semaphore_mem>>) src(%arg11 : memref<80x128xf32, #tpu.memory_space<vmem>>) dst(%dma_wait3A_67 : memref<80x128xf32, #tpu.memory_space<hbm>>)
        tpu.yield
      }) : () -> ()
    }
    %while3A_52 = arith.constant 1 : i32
    scf.for %while3A_53 = %while3A_50 to %while3A_46 step %while3A_52  : i32 {
      %mul3A_54 = arith.muli %while3A_53, %while3A_43 : i32
      %add3A_55 = arith.addi %arg1, %mul3A_54 : i32
      %mul3A_56 = arith.constant 80 : i32
      %mul3A_57 = arith.muli %add3A_55, %mul3A_56 : i32
      %multiple_of3A = tpu.assume_multiple %mul3A_57, 80 : i32
      "tpu.region"() ({
        %run_scoped3A = tpu.sem_alloc : memref<!tpu.dma_semaphore, #tpu.memory_space<semaphore_mem>>
        %dma_start3A = arith.constant 0 : i32
        %dma_start3A_58 = tpu.memref_slice %arg7[%multiple_of3A, %dma_start3A] : memref<10000x128xf32, #tpu.memory_space<vmem_shared>> -> memref<80x128xf32, #tpu.memory_space<vmem_shared>>
        %dma_start3A_59 = arith.constant 0 : i32
        %dma_start3A_60 = tpu.memref_slice %arg7[%multiple_of3A, %dma_start3A_59] : memref<10000x128xf32, #tpu.memory_space<vmem_shared>> -> memref<80x128xf32, #tpu.memory_space<vmem_shared>>
        tpu.enqueue_dma source(%dma_start3A_60 : memref<80x128xf32, #tpu.memory_space<vmem_shared>>) target(%arg11 : memref<80x128xf32, #tpu.memory_space<vmem>>) target_semaphore(%run_scoped3A : memref<!tpu.dma_semaphore, #tpu.memory_space<semaphore_mem>>)
        %dma_wait3A = arith.constant 0 : i32
        %dma_wait3A_61 = tpu.memref_slice %arg7[%multiple_of3A, %dma_wait3A] : memref<10000x128xf32, #tpu.memory_space<vmem_shared>> -> memref<80x128xf32, #tpu.memory_space<vmem_shared>>
        %dma_wait3A_62 = arith.constant 0 : i32
        %dma_wait3A_63 = tpu.memref_slice %arg7[%multiple_of3A, %dma_wait3A_62] : memref<10000x128xf32, #tpu.memory_space<vmem_shared>> -> memref<80x128xf32, #tpu.memory_space<vmem_shared>>
        tpu.wait_dma2 semaphore(%run_scoped3A : memref<!tpu.dma_semaphore, #tpu.memory_space<semaphore_mem>>) src(%dma_wait3A_63 : memref<80x128xf32, #tpu.memory_space<vmem_shared>>) dst(%arg11 : memref<80x128xf32, #tpu.memory_space<vmem>>)
        tpu.yield
      }) : () -> ()
      "tpu.region"() ({
        %run_scoped3A = tpu.sem_alloc : memref<!tpu.dma_semaphore, #tpu.memory_space<semaphore_mem>>
        %dma_start3A = arith.constant 0 : i32
        %dma_start3A_58 = tpu.memref_slice %arg6[%arg0, %multiple_of3A, %dma_start3A] : memref<2x10000x128xf32, #tpu.memory_space<hbm>> -> memref<1x80x128xf32, #tpu.memory_space<hbm>>
        %dma_start3A_59 = tpu.memref_squeeze %dma_start3A_58 : memref<1x80x128xf32, #tpu.memory_space<hbm>> -> memref<80x128xf32, #tpu.memory_space<hbm>>
        %dma_start3A_60 = arith.constant 0 : i32
        %dma_start3A_61 = tpu.memref_slice %arg6[%arg0, %multiple_of3A, %dma_start3A_60] : memref<2x10000x128xf32, #tpu.memory_space<hbm>> -> memref<1x80x128xf32, #tpu.memory_space<hbm>>
        %dma_start3A_62 = tpu.memref_squeeze %dma_start3A_61 : memref<1x80x128xf32, #tpu.memory_space<hbm>> -> memref<80x128xf32, #tpu.memory_space<hbm>>
        tpu.enqueue_dma source(%arg11 : memref<80x128xf32, #tpu.memory_space<vmem>>) target(%dma_start3A_62 : memref<80x128xf32, #tpu.memory_space<hbm>>) target_semaphore(%run_scoped3A : memref<!tpu.dma_semaphore, #tpu.memory_space<semaphore_mem>>)
        %dma_wait3A = arith.constant 0 : i32
        %dma_wait3A_63 = tpu.memref_slice %arg6[%arg0, %multiple_of3A, %dma_wait3A] : memref<2x10000x128xf32, #tpu.memory_space<hbm>> -> memref<1x80x128xf32, #tpu.memory_space<hbm>>
        %dma_wait3A_64 = tpu.memref_squeeze %dma_wait3A_63 : memref<1x80x128xf32, #tpu.memory_space<hbm>> -> memref<80x128xf32, #tpu.memory_space<hbm>>
        %dma_wait3A_65 = arith.constant 0 : i32
        %dma_wait3A_66 = tpu.memref_slice %arg6[%arg0, %multiple_of3A, %dma_wait3A_65] : memref<2x10000x128xf32, #tpu.memory_space<hbm>> -> memref<1x80x128xf32, #tpu.memory_space<hbm>>
        %dma_wait3A_67 = tpu.memref_squeeze %dma_wait3A_66 : memref<1x80x128xf32, #tpu.memory_space<hbm>> -> memref<80x128xf32, #tpu.memory_space<hbm>>
        tpu.wait_dma2 semaphore(%run_scoped3A : memref<!tpu.dma_semaphore, #tpu.memory_space<semaphore_mem>>) src(%arg11 : memref<80x128xf32, #tpu.memory_space<vmem>>) dst(%dma_wait3A_67 : memref<80x128xf32, #tpu.memory_space<hbm>>)
        tpu.yield
      }) : () -> ()
    }
    return
  }
}

module attributes {stable_mosaic.version = 14 : i64} {
  func.func @_edge_mlp_body(%arg0: i32, %arg1: memref<3200x16xf32, #tpu.memory_space<vmem>>, %arg2: memref<16x128xf32, #tpu.memory_space<vmem>>, %arg3: memref<1x128xf32, #tpu.memory_space<vmem>>, %arg4: memref<128x128xf32, #tpu.memory_space<vmem>>, %arg5: memref<1x128xf32, #tpu.memory_space<vmem>>, %arg6: memref<128x128xf32, #tpu.memory_space<vmem>>, %arg7: memref<1x128xf32, #tpu.memory_space<vmem>>, %arg8: memref<128x128xf32, #tpu.memory_space<vmem>>, %arg9: memref<1x128xf32, #tpu.memory_space<vmem>>, %arg10: memref<1x128xf32, #tpu.memory_space<vmem>>, %arg11: memref<1x128xf32, #tpu.memory_space<vmem>>, %arg12: memref<3200x128xf32, #tpu.memory_space<vmem>>) attributes {dimension_semantics = [#tpu.dimension_semantics<arbitrary>], iteration_bounds = array<i64: 100>, scalar_prefetch = 0 : i64, scratch_operands = 0 : i64, tpu.core_type = #tpu.core_type<tc>, window_params = [{transform_indices = @transform_0, window_bounds = array<i64: 3200, 16>}, {pipeline_mode = #tpu.pipeline_mode<synchronous>, transform_indices = @transform_1, window_bounds = array<i64: 16, 128>}, {pipeline_mode = #tpu.pipeline_mode<synchronous>, transform_indices = @transform_2, window_bounds = array<i64: 1, 128>}, {pipeline_mode = #tpu.pipeline_mode<synchronous>, transform_indices = @transform_3, window_bounds = array<i64: 128, 128>}, {pipeline_mode = #tpu.pipeline_mode<synchronous>, transform_indices = @transform_4, window_bounds = array<i64: 1, 128>}, {pipeline_mode = #tpu.pipeline_mode<synchronous>, transform_indices = @transform_5, window_bounds = array<i64: 128, 128>}, {pipeline_mode = #tpu.pipeline_mode<synchronous>, transform_indices = @transform_6, window_bounds = array<i64: 1, 128>}, {pipeline_mode = #tpu.pipeline_mode<synchronous>, transform_indices = @transform_7, window_bounds = array<i64: 128, 128>}, {pipeline_mode = #tpu.pipeline_mode<synchronous>, transform_indices = @transform_8, window_bounds = array<i64: 1, 128>}, {pipeline_mode = #tpu.pipeline_mode<synchronous>, transform_indices = @transform_9, window_bounds = array<i64: 1, 128>}, {pipeline_mode = #tpu.pipeline_mode<synchronous>, transform_indices = @transform_10, window_bounds = array<i64: 1, 128>}, {transform_indices = @transform_11, window_bounds = array<i64: 3200, 128>}]} {
    %get3A = arith.constant 0 : index
    %get3A_0 = arith.constant 0 : index
    %get3A_1 = vector.load %arg1[%get3A, %get3A_0] : memref<3200x16xf32, #tpu.memory_space<vmem>>, vector<3200x16xf32>
    %get3A_2 = arith.constant 0 : index
    %get3A_3 = arith.constant 0 : index
    %get3A_4 = vector.load %arg2[%get3A_2, %get3A_3] : memref<16x128xf32, #tpu.memory_space<vmem>>, vector<16x128xf32>
    %dot_general3A = arith.constant dense<0.000000e+00> : vector<3200x128xf32>
    %dot_general3A_5 = tpu.matmul %get3A_1, %get3A_4, %dot_general3A {dimension_numbers = #tpu.dot_dimension_numbers<[1], [0], [0], [1], [0, 0, 1, 1], [], []>, transpose_lhs_hint = false} : vector<3200x16xf32>, vector<16x128xf32>, vector<3200x128xf32> -> vector<3200x128xf32>
    %get3A_6 = arith.constant 0 : index
    %get3A_7 = arith.constant 0 : index
    %get3A_8 = vector.load %arg3[%get3A_6, %get3A_7] : memref<1x128xf32, #tpu.memory_space<vmem>>, vector<1x128xf32>
    %add3A = vector.broadcast %get3A_8 : vector<1x128xf32> to vector<3200x128xf32>
    %add3A_9 = arith.addf %dot_general3A_5, %add3A : vector<3200x128xf32>
    %max3A = arith.constant 0.000000e+00 : f32
    %max3A_10 = vector.broadcast %max3A : f32 to vector<3200x128xf32>
    %max3A_11 = arith.maximumf %add3A_9, %max3A_10 : vector<3200x128xf32>
    %get3A_12 = arith.constant 0 : index
    %get3A_13 = arith.constant 0 : index
    %get3A_14 = vector.load %arg4[%get3A_12, %get3A_13] : memref<128x128xf32, #tpu.memory_space<vmem>>, vector<128x128xf32>
    %dot_general3A_15 = arith.constant dense<0.000000e+00> : vector<3200x128xf32>
    %dot_general3A_16 = tpu.matmul %max3A_11, %get3A_14, %dot_general3A_15 {dimension_numbers = #tpu.dot_dimension_numbers<[1], [0], [0], [1], [0, 0, 1, 1], [], []>, transpose_lhs_hint = false} : vector<3200x128xf32>, vector<128x128xf32>, vector<3200x128xf32> -> vector<3200x128xf32>
    %get3A_17 = arith.constant 0 : index
    %get3A_18 = arith.constant 0 : index
    %get3A_19 = vector.load %arg5[%get3A_17, %get3A_18] : memref<1x128xf32, #tpu.memory_space<vmem>>, vector<1x128xf32>
    %add3A_20 = vector.broadcast %get3A_19 : vector<1x128xf32> to vector<3200x128xf32>
    %add3A_21 = arith.addf %dot_general3A_16, %add3A_20 : vector<3200x128xf32>
    %max3A_22 = arith.constant 0.000000e+00 : f32
    %max3A_23 = vector.broadcast %max3A_22 : f32 to vector<3200x128xf32>
    %max3A_24 = arith.maximumf %add3A_21, %max3A_23 : vector<3200x128xf32>
    %get3A_25 = arith.constant 0 : index
    %get3A_26 = arith.constant 0 : index
    %get3A_27 = vector.load %arg6[%get3A_25, %get3A_26] : memref<128x128xf32, #tpu.memory_space<vmem>>, vector<128x128xf32>
    %dot_general3A_28 = arith.constant dense<0.000000e+00> : vector<3200x128xf32>
    %dot_general3A_29 = tpu.matmul %max3A_24, %get3A_27, %dot_general3A_28 {dimension_numbers = #tpu.dot_dimension_numbers<[1], [0], [0], [1], [0, 0, 1, 1], [], []>, transpose_lhs_hint = false} : vector<3200x128xf32>, vector<128x128xf32>, vector<3200x128xf32> -> vector<3200x128xf32>
    %get3A_30 = arith.constant 0 : index
    %get3A_31 = arith.constant 0 : index
    %get3A_32 = vector.load %arg7[%get3A_30, %get3A_31] : memref<1x128xf32, #tpu.memory_space<vmem>>, vector<1x128xf32>
    %add3A_33 = vector.broadcast %get3A_32 : vector<1x128xf32> to vector<3200x128xf32>
    %add3A_34 = arith.addf %dot_general3A_29, %add3A_33 : vector<3200x128xf32>
    %max3A_35 = arith.constant 0.000000e+00 : f32
    %max3A_36 = vector.broadcast %max3A_35 : f32 to vector<3200x128xf32>
    %max3A_37 = arith.maximumf %add3A_34, %max3A_36 : vector<3200x128xf32>
    %get3A_38 = arith.constant 0 : index
    %get3A_39 = arith.constant 0 : index
    %get3A_40 = vector.load %arg8[%get3A_38, %get3A_39] : memref<128x128xf32, #tpu.memory_space<vmem>>, vector<128x128xf32>
    %dot_general3A_41 = arith.constant dense<0.000000e+00> : vector<3200x128xf32>
    %dot_general3A_42 = tpu.matmul %max3A_37, %get3A_40, %dot_general3A_41 {dimension_numbers = #tpu.dot_dimension_numbers<[1], [0], [0], [1], [0, 0, 1, 1], [], []>, transpose_lhs_hint = false} : vector<3200x128xf32>, vector<128x128xf32>, vector<3200x128xf32> -> vector<3200x128xf32>
    %get3A_43 = arith.constant 0 : index
    %get3A_44 = arith.constant 0 : index
    %get3A_45 = vector.load %arg9[%get3A_43, %get3A_44] : memref<1x128xf32, #tpu.memory_space<vmem>>, vector<1x128xf32>
    %add3A_46 = vector.broadcast %get3A_45 : vector<1x128xf32> to vector<3200x128xf32>
    %add3A_47 = arith.addf %dot_general3A_42, %add3A_46 : vector<3200x128xf32>
    %get3A_48 = arith.constant 0 : index
    %get3A_49 = arith.constant 0 : index
    %get3A_50 = vector.load %arg10[%get3A_48, %get3A_49] : memref<1x128xf32, #tpu.memory_space<vmem>>, vector<1x128xf32>
    %get3A_51 = arith.constant 0 : index
    %get3A_52 = arith.constant 0 : index
    %get3A_53 = vector.load %arg11[%get3A_51, %get3A_52] : memref<1x128xf32, #tpu.memory_space<vmem>>, vector<1x128xf32>
    %reduce_sum3A = arith.constant dense<0.000000e+00> : vector<3200xf32>
    %reduce_sum3A_54 = vector.multi_reduction <add>, %add3A_47, %reduce_sum3A [1] : vector<3200x128xf32> to vector<3200xf32>
    %broadcast_in_dim3A = vector.shape_cast %reduce_sum3A_54 : vector<3200xf32> to vector<3200x1xf32>
    %div3A = arith.constant 1.280000e+02 : f32
    %div3A_55 = vector.broadcast %div3A : f32 to vector<3200x1xf32>
    %div3A_56 = arith.divf %broadcast_in_dim3A, %div3A_55 : vector<3200x1xf32>
    %sub3A = vector.broadcast %div3A_56 : vector<3200x1xf32> to vector<3200x128xf32>
    %sub3A_57 = arith.subf %add3A_47, %sub3A : vector<3200x128xf32>
    %integer_pow3A = arith.mulf %sub3A_57, %sub3A_57 : vector<3200x128xf32>
    %reduce_sum3A_58 = arith.constant dense<0.000000e+00> : vector<3200xf32>
    %reduce_sum3A_59 = vector.multi_reduction <add>, %integer_pow3A, %reduce_sum3A_58 [1] : vector<3200x128xf32> to vector<3200xf32>
    %broadcast_in_dim3A_60 = vector.shape_cast %reduce_sum3A_59 : vector<3200xf32> to vector<3200x1xf32>
    %div3A_61 = arith.constant 1.280000e+02 : f32
    %div3A_62 = vector.broadcast %div3A_61 : f32 to vector<3200x1xf32>
    %div3A_63 = arith.divf %broadcast_in_dim3A_60, %div3A_62 : vector<3200x1xf32>
    %sub3A_64 = vector.broadcast %div3A_56 : vector<3200x1xf32> to vector<3200x128xf32>
    %sub3A_65 = arith.subf %add3A_47, %sub3A_64 : vector<3200x128xf32>
    %add3A_66 = arith.constant 9.99999974E-6 : f32
    %add3A_67 = vector.broadcast %add3A_66 : f32 to vector<3200x1xf32>
    %add3A_68 = arith.addf %div3A_63, %add3A_67 : vector<3200x1xf32>
    %rsqrt3A = math.rsqrt %add3A_68 : vector<3200x1xf32>
    %mul3A = vector.broadcast %rsqrt3A : vector<3200x1xf32> to vector<3200x128xf32>
    %mul3A_69 = arith.mulf %sub3A_65, %mul3A : vector<3200x128xf32>
    %mul3A_70 = vector.broadcast %get3A_50 : vector<1x128xf32> to vector<3200x128xf32>
    %mul3A_71 = arith.mulf %mul3A_69, %mul3A_70 : vector<3200x128xf32>
    %add3A_72 = vector.broadcast %get3A_53 : vector<1x128xf32> to vector<3200x128xf32>
    %add3A_73 = arith.addf %mul3A_71, %add3A_72 : vector<3200x128xf32>
    %swap3A = arith.constant 0 : index
    %swap3A_74 = arith.constant 0 : index
    %swap3A_75 = vector.load %arg12[%swap3A, %swap3A_74] : memref<3200x128xf32, #tpu.memory_space<vmem>>, vector<3200x128xf32>
    tpu.vector_store %arg12[%swap3A, %swap3A_74], %add3A_73 {strides = array<i32>} : memref<3200x128xf32, #tpu.memory_space<vmem>>, vector<3200x128xf32>,
    return
  }
  func.func @transform_0(%arg0: i32) -> (i32, i32) {
    %c0_i32 = arith.constant 0 : i32
    %c0_i32_0 = arith.constant 0 : i32
    return %arg0, %c0_i32 : i32, i32
  }
  func.func @transform_1(%arg0: i32) -> (i32, i32) {
    %c0_i32 = arith.constant 0 : i32
    %c0_i32_0 = arith.constant 0 : i32
    %c0_i32_1 = arith.constant 0 : i32
    return %c0_i32, %c0_i32_0 : i32, i32
  }
  func.func @transform_2(%arg0: i32) -> (i32, i32) {
    %c0_i32 = arith.constant 0 : i32
    %c0_i32_0 = arith.constant 0 : i32
    %c0_i32_1 = arith.constant 0 : i32
    return %c0_i32, %c0_i32_0 : i32, i32
  }
  func.func @transform_3(%arg0: i32) -> (i32, i32) {
    %c0_i32 = arith.constant 0 : i32
    %c0_i32_0 = arith.constant 0 : i32
    %c0_i32_1 = arith.constant 0 : i32
    return %c0_i32, %c0_i32_0 : i32, i32
  }
  func.func @transform_4(%arg0: i32) -> (i32, i32) {
    %c0_i32 = arith.constant 0 : i32
    %c0_i32_0 = arith.constant 0 : i32
    %c0_i32_1 = arith.constant 0 : i32
    return %c0_i32, %c0_i32_0 : i32, i32
  }
  func.func @transform_5(%arg0: i32) -> (i32, i32) {
    %c0_i32 = arith.constant 0 : i32
    %c0_i32_0 = arith.constant 0 : i32
    %c0_i32_1 = arith.constant 0 : i32
    return %c0_i32, %c0_i32_0 : i32, i32
  }
  func.func @transform_6(%arg0: i32) -> (i32, i32) {
    %c0_i32 = arith.constant 0 : i32
    %c0_i32_0 = arith.constant 0 : i32
    %c0_i32_1 = arith.constant 0 : i32
    return %c0_i32, %c0_i32_0 : i32, i32
  }
  func.func @transform_7(%arg0: i32) -> (i32, i32) {
    %c0_i32 = arith.constant 0 : i32
    %c0_i32_0 = arith.constant 0 : i32
    %c0_i32_1 = arith.constant 0 : i32
    return %c0_i32, %c0_i32_0 : i32, i32
  }
  func.func @transform_8(%arg0: i32) -> (i32, i32) {
    %c0_i32 = arith.constant 0 : i32
    %c0_i32_0 = arith.constant 0 : i32
    %c0_i32_1 = arith.constant 0 : i32
    return %c0_i32, %c0_i32_0 : i32, i32
  }
  func.func @transform_9(%arg0: i32) -> (i32, i32) {
    %c0_i32 = arith.constant 0 : i32
    %c0_i32_0 = arith.constant 0 : i32
    %c0_i32_1 = arith.constant 0 : i32
    return %c0_i32, %c0_i32_0 : i32, i32
  }
  func.func @transform_10(%arg0: i32) -> (i32, i32) {
    %c0_i32 = arith.constant 0 : i32
    %c0_i32_0 = arith.constant 0 : i32
    %c0_i32_1 = arith.constant 0 : i32
    return %c0_i32, %c0_i32_0 : i32, i32
  }
  func.func @transform_11(%arg0: i32) -> (i32, i32) {
    %c0_i32 = arith.constant 0 : i32
    %c0_i32_0 = arith.constant 0 : i32
    return %arg0, %c0_i32 : i32, i32
  }
}

module attributes {stable_mosaic.version = 14 : i64} {
  func.func @_node_mlp_body(%arg0: i32, %arg1: memref<2x1000x128xf32, #tpu.memory_space<vmem>>, %arg2: memref<128x128xf32, #tpu.memory_space<vmem>>, %arg3: memref<1x128xf32, #tpu.memory_space<vmem>>, %arg4: memref<128x128xf32, #tpu.memory_space<vmem>>, %arg5: memref<1x128xf32, #tpu.memory_space<vmem>>, %arg6: memref<128x128xf32, #tpu.memory_space<vmem>>, %arg7: memref<1x128xf32, #tpu.memory_space<vmem>>, %arg8: memref<128x128xf32, #tpu.memory_space<vmem>>, %arg9: memref<1x128xf32, #tpu.memory_space<vmem>>, %arg10: memref<1x128xf32, #tpu.memory_space<vmem>>, %arg11: memref<1x128xf32, #tpu.memory_space<vmem>>, %arg12: memref<128x128xf32, #tpu.memory_space<vmem>>, %arg13: memref<128x128xf32, #tpu.memory_space<vmem>>, %arg14: memref<1000x128xf32, #tpu.memory_space<vmem>>, %arg15: memref<1000x128xf32, #tpu.memory_space<vmem>>, %arg16: memref<1000x128xf32, #tpu.memory_space<vmem>>) attributes {dimension_semantics = [#tpu.dimension_semantics<arbitrary>], iteration_bounds = array<i64: 10>, scalar_prefetch = 0 : i64, scratch_operands = 0 : i64, tpu.core_type = #tpu.core_type<tc>, window_params = [{transform_indices = @transform_0, window_bounds = array<i64: 2, 1000, 128>}, {pipeline_mode = #tpu.pipeline_mode<synchronous>, transform_indices = @transform_1, window_bounds = array<i64: 128, 128>}, {pipeline_mode = #tpu.pipeline_mode<synchronous>, transform_indices = @transform_2, window_bounds = array<i64: 1, 128>}, {pipeline_mode = #tpu.pipeline_mode<synchronous>, transform_indices = @transform_3, window_bounds = array<i64: 128, 128>}, {pipeline_mode = #tpu.pipeline_mode<synchronous>, transform_indices = @transform_4, window_bounds = array<i64: 1, 128>}, {pipeline_mode = #tpu.pipeline_mode<synchronous>, transform_indices = @transform_5, window_bounds = array<i64: 128, 128>}, {pipeline_mode = #tpu.pipeline_mode<synchronous>, transform_indices = @transform_6, window_bounds = array<i64: 1, 128>}, {pipeline_mode = #tpu.pipeline_mode<synchronous>, transform_indices = @transform_7, window_bounds = array<i64: 128, 128>}, {pipeline_mode = #tpu.pipeline_mode<synchronous>, transform_indices = @transform_8, window_bounds = array<i64: 1, 128>}, {pipeline_mode = #tpu.pipeline_mode<synchronous>, transform_indices = @transform_9, window_bounds = array<i64: 1, 128>}, {pipeline_mode = #tpu.pipeline_mode<synchronous>, transform_indices = @transform_10, window_bounds = array<i64: 1, 128>}, {pipeline_mode = #tpu.pipeline_mode<synchronous>, transform_indices = @transform_11, window_bounds = array<i64: 128, 128>}, {pipeline_mode = #tpu.pipeline_mode<synchronous>, transform_indices = @transform_12, window_bounds = array<i64: 128, 128>}, {transform_indices = @transform_13, window_bounds = array<i64: 1000, 128>}, {transform_indices = @transform_14, window_bounds = array<i64: 1000, 128>}, {transform_indices = @transform_15, window_bounds = array<i64: 1000, 128>}]} {
    %get3A = arith.constant 0 : index
    %get3A_0 = arith.constant 0 : index
    %get3A_1 = arith.constant 0 : index
    %get3A_2 = vector.load %arg1[%get3A, %get3A_0, %get3A_1] : memref<2x1000x128xf32, #tpu.memory_space<vmem>>, vector<1x1000x128xf32>
    %get3A_3 = vector.shape_cast %get3A_2 : vector<1x1000x128xf32> to vector<1000x128xf32>
    %get3A_4 = arith.constant 1 : index
    %get3A_5 = arith.constant 0 : index
    %get3A_6 = arith.constant 0 : index
    %get3A_7 = vector.load %arg1[%get3A_4, %get3A_5, %get3A_6] : memref<2x1000x128xf32, #tpu.memory_space<vmem>>, vector<1x1000x128xf32>
    %get3A_8 = vector.shape_cast %get3A_7 : vector<1x1000x128xf32> to vector<1000x128xf32>
    %add3A = arith.addf %get3A_3, %get3A_8 : vector<1000x128xf32>
    %get3A_9 = arith.constant 0 : index
    %get3A_10 = arith.constant 0 : index
    %get3A_11 = vector.load %arg2[%get3A_9, %get3A_10] : memref<128x128xf32, #tpu.memory_space<vmem>>, vector<128x128xf32>
    %dot_general3A = arith.constant dense<0.000000e+00> : vector<1000x128xf32>
    %dot_general3A_12 = tpu.matmul %add3A, %get3A_11, %dot_general3A {dimension_numbers = #tpu.dot_dimension_numbers<[1], [0], [0], [1], [0, 0, 1, 1], [], []>, transpose_lhs_hint = false} : vector<1000x128xf32>, vector<128x128xf32>, vector<1000x128xf32> -> vector<1000x128xf32>
    %get3A_13 = arith.constant 0 : index
    %get3A_14 = arith.constant 0 : index
    %get3A_15 = vector.load %arg3[%get3A_13, %get3A_14] : memref<1x128xf32, #tpu.memory_space<vmem>>, vector<1x128xf32>
    %add3A_16 = vector.broadcast %get3A_15 : vector<1x128xf32> to vector<1000x128xf32>
    %add3A_17 = arith.addf %dot_general3A_12, %add3A_16 : vector<1000x128xf32>
    %max3A = arith.constant 0.000000e+00 : f32
    %max3A_18 = vector.broadcast %max3A : f32 to vector<1000x128xf32>
    %max3A_19 = arith.maximumf %add3A_17, %max3A_18 : vector<1000x128xf32>
    %get3A_20 = arith.constant 0 : index
    %get3A_21 = arith.constant 0 : index
    %get3A_22 = vector.load %arg4[%get3A_20, %get3A_21] : memref<128x128xf32, #tpu.memory_space<vmem>>, vector<128x128xf32>
    %dot_general3A_23 = arith.constant dense<0.000000e+00> : vector<1000x128xf32>
    %dot_general3A_24 = tpu.matmul %max3A_19, %get3A_22, %dot_general3A_23 {dimension_numbers = #tpu.dot_dimension_numbers<[1], [0], [0], [1], [0, 0, 1, 1], [], []>, transpose_lhs_hint = false} : vector<1000x128xf32>, vector<128x128xf32>, vector<1000x128xf32> -> vector<1000x128xf32>
    %get3A_25 = arith.constant 0 : index
    %get3A_26 = arith.constant 0 : index
    %get3A_27 = vector.load %arg5[%get3A_25, %get3A_26] : memref<1x128xf32, #tpu.memory_space<vmem>>, vector<1x128xf32>
    %add3A_28 = vector.broadcast %get3A_27 : vector<1x128xf32> to vector<1000x128xf32>
    %add3A_29 = arith.addf %dot_general3A_24, %add3A_28 : vector<1000x128xf32>
    %max3A_30 = arith.constant 0.000000e+00 : f32
    %max3A_31 = vector.broadcast %max3A_30 : f32 to vector<1000x128xf32>
    %max3A_32 = arith.maximumf %add3A_29, %max3A_31 : vector<1000x128xf32>
    %get3A_33 = arith.constant 0 : index
    %get3A_34 = arith.constant 0 : index
    %get3A_35 = vector.load %arg6[%get3A_33, %get3A_34] : memref<128x128xf32, #tpu.memory_space<vmem>>, vector<128x128xf32>
    %dot_general3A_36 = arith.constant dense<0.000000e+00> : vector<1000x128xf32>
    %dot_general3A_37 = tpu.matmul %max3A_32, %get3A_35, %dot_general3A_36 {dimension_numbers = #tpu.dot_dimension_numbers<[1], [0], [0], [1], [0, 0, 1, 1], [], []>, transpose_lhs_hint = false} : vector<1000x128xf32>, vector<128x128xf32>, vector<1000x128xf32> -> vector<1000x128xf32>
    %get3A_38 = arith.constant 0 : index
    %get3A_39 = arith.constant 0 : index
    %get3A_40 = vector.load %arg7[%get3A_38, %get3A_39] : memref<1x128xf32, #tpu.memory_space<vmem>>, vector<1x128xf32>
    %add3A_41 = vector.broadcast %get3A_40 : vector<1x128xf32> to vector<1000x128xf32>
    %add3A_42 = arith.addf %dot_general3A_37, %add3A_41 : vector<1000x128xf32>
    %max3A_43 = arith.constant 0.000000e+00 : f32
    %max3A_44 = vector.broadcast %max3A_43 : f32 to vector<1000x128xf32>
    %max3A_45 = arith.maximumf %add3A_42, %max3A_44 : vector<1000x128xf32>
    %get3A_46 = arith.constant 0 : index
    %get3A_47 = arith.constant 0 : index
    %get3A_48 = vector.load %arg8[%get3A_46, %get3A_47] : memref<128x128xf32, #tpu.memory_space<vmem>>, vector<128x128xf32>
    %dot_general3A_49 = arith.constant dense<0.000000e+00> : vector<1000x128xf32>
    %dot_general3A_50 = tpu.matmul %max3A_45, %get3A_48, %dot_general3A_49 {dimension_numbers = #tpu.dot_dimension_numbers<[1], [0], [0], [1], [0, 0, 1, 1], [], []>, transpose_lhs_hint = false} : vector<1000x128xf32>, vector<128x128xf32>, vector<1000x128xf32> -> vector<1000x128xf32>
    %get3A_51 = arith.constant 0 : index
    %get3A_52 = arith.constant 0 : index
    %get3A_53 = vector.load %arg9[%get3A_51, %get3A_52] : memref<1x128xf32, #tpu.memory_space<vmem>>, vector<1x128xf32>
    %add3A_54 = vector.broadcast %get3A_53 : vector<1x128xf32> to vector<1000x128xf32>
    %add3A_55 = arith.addf %dot_general3A_50, %add3A_54 : vector<1000x128xf32>
    %get3A_56 = arith.constant 0 : index
    %get3A_57 = arith.constant 0 : index
    %get3A_58 = vector.load %arg10[%get3A_56, %get3A_57] : memref<1x128xf32, #tpu.memory_space<vmem>>, vector<1x128xf32>
    %get3A_59 = arith.constant 0 : index
    %get3A_60 = arith.constant 0 : index
    %get3A_61 = vector.load %arg11[%get3A_59, %get3A_60] : memref<1x128xf32, #tpu.memory_space<vmem>>, vector<1x128xf32>
    %reduce_sum3A = arith.constant dense<0.000000e+00> : vector<1000xf32>
    %reduce_sum3A_62 = vector.multi_reduction <add>, %add3A_55, %reduce_sum3A [1] : vector<1000x128xf32> to vector<1000xf32>
    %broadcast_in_dim3A = vector.shape_cast %reduce_sum3A_62 : vector<1000xf32> to vector<1000x1xf32>
    %div3A = arith.constant 1.280000e+02 : f32
    %div3A_63 = vector.broadcast %div3A : f32 to vector<1000x1xf32>
    %div3A_64 = arith.divf %broadcast_in_dim3A, %div3A_63 : vector<1000x1xf32>
    %sub3A = vector.broadcast %div3A_64 : vector<1000x1xf32> to vector<1000x128xf32>
    %sub3A_65 = arith.subf %add3A_55, %sub3A : vector<1000x128xf32>
    %integer_pow3A = arith.mulf %sub3A_65, %sub3A_65 : vector<1000x128xf32>
    %reduce_sum3A_66 = arith.constant dense<0.000000e+00> : vector<1000xf32>
    %reduce_sum3A_67 = vector.multi_reduction <add>, %integer_pow3A, %reduce_sum3A_66 [1] : vector<1000x128xf32> to vector<1000xf32>
    %broadcast_in_dim3A_68 = vector.shape_cast %reduce_sum3A_67 : vector<1000xf32> to vector<1000x1xf32>
    %div3A_69 = arith.constant 1.280000e+02 : f32
    %div3A_70 = vector.broadcast %div3A_69 : f32 to vector<1000x1xf32>
    %div3A_71 = arith.divf %broadcast_in_dim3A_68, %div3A_70 : vector<1000x1xf32>
    %sub3A_72 = vector.broadcast %div3A_64 : vector<1000x1xf32> to vector<1000x128xf32>
    %sub3A_73 = arith.subf %add3A_55, %sub3A_72 : vector<1000x128xf32>
    %add3A_74 = arith.constant 9.99999974E-6 : f32
    %add3A_75 = vector.broadcast %add3A_74 : f32 to vector<1000x1xf32>
    %add3A_76 = arith.addf %div3A_71, %add3A_75 : vector<1000x1xf32>
    %rsqrt3A = math.rsqrt %add3A_76 : vector<1000x1xf32>
    %mul3A = vector.broadcast %rsqrt3A : vector<1000x1xf32> to vector<1000x128xf32>
    %mul3A_77 = arith.mulf %sub3A_73, %mul3A : vector<1000x128xf32>
    %mul3A_78 = vector.broadcast %get3A_58 : vector<1x128xf32> to vector<1000x128xf32>
    %mul3A_79 = arith.mulf %mul3A_77, %mul3A_78 : vector<1000x128xf32>
    %add3A_80 = vector.broadcast %get3A_61 : vector<1x128xf32> to vector<1000x128xf32>
    %add3A_81 = arith.addf %mul3A_79, %add3A_80 : vector<1000x128xf32>
    %swap3A = arith.constant 0 : index
    %swap3A_82 = arith.constant 0 : index
    %swap3A_83 = vector.load %arg14[%swap3A, %swap3A_82] : memref<1000x128xf32, #tpu.memory_space<vmem>>, vector<1000x128xf32>
    tpu.vector_store %arg14[%swap3A, %swap3A_82], %add3A_81 {strides = array<i32>} : memref<1000x128xf32, #tpu.memory_space<vmem>>, vector<1000x128xf32>,
    %get3A_84 = arith.constant 0 : index
    %get3A_85 = arith.constant 0 : index
    %get3A_86 = vector.load %arg12[%get3A_84, %get3A_85] : memref<128x128xf32, #tpu.memory_space<vmem>>, vector<128x128xf32>
    %dot_general3A_87 = arith.constant dense<0.000000e+00> : vector<1000x128xf32>
    %dot_general3A_88 = tpu.matmul %add3A_81, %get3A_86, %dot_general3A_87 {dimension_numbers = #tpu.dot_dimension_numbers<[1], [0], [0], [1], [0, 0, 1, 1], [], []>, transpose_lhs_hint = false} : vector<1000x128xf32>, vector<128x128xf32>, vector<1000x128xf32> -> vector<1000x128xf32>
    %swap3A_89 = arith.constant 0 : index
    %swap3A_90 = arith.constant 0 : index
    %swap3A_91 = vector.load %arg15[%swap3A_89, %swap3A_90] : memref<1000x128xf32, #tpu.memory_space<vmem>>, vector<1000x128xf32>
    tpu.vector_store %arg15[%swap3A_89, %swap3A_90], %dot_general3A_88 {strides = array<i32>} : memref<1000x128xf32, #tpu.memory_space<vmem>>, vector<1000x128xf32>,
    %get3A_92 = arith.constant 0 : index
    %get3A_93 = arith.constant 0 : index
    %get3A_94 = vector.load %arg13[%get3A_92, %get3A_93] : memref<128x128xf32, #tpu.memory_space<vmem>>, vector<128x128xf32>
    %dot_general3A_95 = arith.constant dense<0.000000e+00> : vector<1000x128xf32>
    %dot_general3A_96 = tpu.matmul %add3A_81, %get3A_94, %dot_general3A_95 {dimension_numbers = #tpu.dot_dimension_numbers<[1], [0], [0], [1], [0, 0, 1, 1], [], []>, transpose_lhs_hint = false} : vector<1000x128xf32>, vector<128x128xf32>, vector<1000x128xf32> -> vector<1000x128xf32>
    %swap3A_97 = arith.constant 0 : index
    %swap3A_98 = arith.constant 0 : index
    %swap3A_99 = vector.load %arg16[%swap3A_97, %swap3A_98] : memref<1000x128xf32, #tpu.memory_space<vmem>>, vector<1000x128xf32>
    tpu.vector_store %arg16[%swap3A_97, %swap3A_98], %dot_general3A_96 {strides = array<i32>} : memref<1000x128xf32, #tpu.memory_space<vmem>>, vector<1000x128xf32>,
    return
  }
  func.func @transform_0(%arg0: i32) -> (i32, i32, i32) {
    %c0_i32 = arith.constant 0 : i32
    %c0_i32_0 = arith.constant 0 : i32
    %c0_i32_1 = arith.constant 0 : i32
    return %c0_i32, %arg0, %c0_i32_0 : i32, i32, i32
  }
  func.func @transform_1(%arg0: i32) -> (i32, i32) {
    %c0_i32 = arith.constant 0 : i32
    %c0_i32_0 = arith.constant 0 : i32
    %c0_i32_1 = arith.constant 0 : i32
    return %c0_i32, %c0_i32_0 : i32, i32
  }
  func.func @transform_2(%arg0: i32) -> (i32, i32) {
    %c0_i32 = arith.constant 0 : i32
    %c0_i32_0 = arith.constant 0 : i32
    %c0_i32_1 = arith.constant 0 : i32
    return %c0_i32, %c0_i32_0 : i32, i32
  }
  func.func @transform_3(%arg0: i32) -> (i32, i32) {
    %c0_i32 = arith.constant 0 : i32
    %c0_i32_0 = arith.constant 0 : i32
    %c0_i32_1 = arith.constant 0 : i32
    return %c0_i32, %c0_i32_0 : i32, i32
  }
  func.func @transform_4(%arg0: i32) -> (i32, i32) {
    %c0_i32 = arith.constant 0 : i32
    %c0_i32_0 = arith.constant 0 : i32
    %c0_i32_1 = arith.constant 0 : i32
    return %c0_i32, %c0_i32_0 : i32, i32
  }
  func.func @transform_5(%arg0: i32) -> (i32, i32) {
    %c0_i32 = arith.constant 0 : i32
    %c0_i32_0 = arith.constant 0 : i32
    %c0_i32_1 = arith.constant 0 : i32
    return %c0_i32, %c0_i32_0 : i32, i32
  }
  func.func @transform_6(%arg0: i32) -> (i32, i32) {
    %c0_i32 = arith.constant 0 : i32
    %c0_i32_0 = arith.constant 0 : i32
    %c0_i32_1 = arith.constant 0 : i32
    return %c0_i32, %c0_i32_0 : i32, i32
  }
  func.func @transform_7(%arg0: i32) -> (i32, i32) {
    %c0_i32 = arith.constant 0 : i32
    %c0_i32_0 = arith.constant 0 : i32
    %c0_i32_1 = arith.constant 0 : i32
    return %c0_i32, %c0_i32_0 : i32, i32
  }
  func.func @transform_8(%arg0: i32) -> (i32, i32) {
    %c0_i32 = arith.constant 0 : i32
    %c0_i32_0 = arith.constant 0 : i32
    %c0_i32_1 = arith.constant 0 : i32
    return %c0_i32, %c0_i32_0 : i32, i32
  }
  func.func @transform_9(%arg0: i32) -> (i32, i32) {
    %c0_i32 = arith.constant 0 : i32
    %c0_i32_0 = arith.constant 0 : i32
    %c0_i32_1 = arith.constant 0 : i32
    return %c0_i32, %c0_i32_0 : i32, i32
  }
  func.func @transform_10(%arg0: i32) -> (i32, i32) {
    %c0_i32 = arith.constant 0 : i32
    %c0_i32_0 = arith.constant 0 : i32
    %c0_i32_1 = arith.constant 0 : i32
    return %c0_i32, %c0_i32_0 : i32, i32
  }
  func.func @transform_11(%arg0: i32) -> (i32, i32) {
    %c0_i32 = arith.constant 0 : i32
    %c0_i32_0 = arith.constant 0 : i32
    %c0_i32_1 = arith.constant 0 : i32
    return %c0_i32, %c0_i32_0 : i32, i32
  }
  func.func @transform_12(%arg0: i32) -> (i32, i32) {
    %c0_i32 = arith.constant 0 : i32
    %c0_i32_0 = arith.constant 0 : i32
    %c0_i32_1 = arith.constant 0 : i32
    return %c0_i32, %c0_i32_0 : i32, i32
  }
  func.func @transform_13(%arg0: i32) -> (i32, i32) {
    %c0_i32 = arith.constant 0 : i32
    %c0_i32_0 = arith.constant 0 : i32
    return %arg0, %c0_i32 : i32, i32
  }
  func.func @transform_14(%arg0: i32) -> (i32, i32) {
    %c0_i32 = arith.constant 0 : i32
    %c0_i32_0 = arith.constant 0 : i32
    return %arg0, %c0_i32 : i32, i32
  }
  func.func @transform_15(%arg0: i32) -> (i32, i32) {
    %c0_i32 = arith.constant 0 : i32
    %c0_i32_0 = arith.constant 0 : i32
    return %arg0, %c0_i32 : i32, i32
  }
}

module attributes {stable_mosaic.version = 14 : i64} {
  func.func @_final_mlp_body(%arg0: i32, %arg1: memref<3200x128xf32, #tpu.memory_space<vmem>>, %arg2: memref<1x128xf32, #tpu.memory_space<vmem>>, %arg3: memref<128x128xf32, #tpu.memory_space<vmem>>, %arg4: memref<1x128xf32, #tpu.memory_space<vmem>>, %arg5: memref<128x128xf32, #tpu.memory_space<vmem>>, %arg6: memref<1x128xf32, #tpu.memory_space<vmem>>, %arg7: memref<128x128xf32, #tpu.memory_space<vmem>>, %arg8: memref<1x128xf32, #tpu.memory_space<vmem>>, %arg9: memref<1x128xf32, #tpu.memory_space<vmem>>, %arg10: memref<1x128xf32, #tpu.memory_space<vmem>>, %arg11: memref<3200x128xf32, #tpu.memory_space<vmem>>) attributes {dimension_semantics = [#tpu.dimension_semantics<arbitrary>], iteration_bounds = array<i64: 100>, scalar_prefetch = 0 : i64, scratch_operands = 0 : i64, tpu.core_type = #tpu.core_type<tc>, window_params = [{transform_indices = @transform_0, window_bounds = array<i64: 3200, 128>}, {pipeline_mode = #tpu.pipeline_mode<synchronous>, transform_indices = @transform_1, window_bounds = array<i64: 1, 128>}, {pipeline_mode = #tpu.pipeline_mode<synchronous>, transform_indices = @transform_2, window_bounds = array<i64: 128, 128>}, {pipeline_mode = #tpu.pipeline_mode<synchronous>, transform_indices = @transform_3, window_bounds = array<i64: 1, 128>}, {pipeline_mode = #tpu.pipeline_mode<synchronous>, transform_indices = @transform_4, window_bounds = array<i64: 128, 128>}, {pipeline_mode = #tpu.pipeline_mode<synchronous>, transform_indices = @transform_5, window_bounds = array<i64: 1, 128>}, {pipeline_mode = #tpu.pipeline_mode<synchronous>, transform_indices = @transform_6, window_bounds = array<i64: 128, 128>}, {pipeline_mode = #tpu.pipeline_mode<synchronous>, transform_indices = @transform_7, window_bounds = array<i64: 1, 128>}, {pipeline_mode = #tpu.pipeline_mode<synchronous>, transform_indices = @transform_8, window_bounds = array<i64: 1, 128>}, {pipeline_mode = #tpu.pipeline_mode<synchronous>, transform_indices = @transform_9, window_bounds = array<i64: 1, 128>}, {transform_indices = @transform_10, window_bounds = array<i64: 3200, 128>}]} {
    %get3A = arith.constant 0 : index
    %get3A_0 = arith.constant 0 : index
    %get3A_1 = vector.load %arg1[%get3A, %get3A_0] : memref<3200x128xf32, #tpu.memory_space<vmem>>, vector<3200x128xf32>
    %get3A_2 = arith.constant 0 : index
    %get3A_3 = arith.constant 0 : index
    %get3A_4 = vector.load %arg2[%get3A_2, %get3A_3] : memref<1x128xf32, #tpu.memory_space<vmem>>, vector<1x128xf32>
    %add3A = vector.broadcast %get3A_4 : vector<1x128xf32> to vector<3200x128xf32>
    %add3A_5 = arith.addf %get3A_1, %add3A : vector<3200x128xf32>
    %max3A = arith.constant 0.000000e+00 : f32
    %max3A_6 = vector.broadcast %max3A : f32 to vector<3200x128xf32>
    %max3A_7 = arith.maximumf %add3A_5, %max3A_6 : vector<3200x128xf32>
    %get3A_8 = arith.constant 0 : index
    %get3A_9 = arith.constant 0 : index
    %get3A_10 = vector.load %arg3[%get3A_8, %get3A_9] : memref<128x128xf32, #tpu.memory_space<vmem>>, vector<128x128xf32>
    %dot_general3A = arith.constant dense<0.000000e+00> : vector<3200x128xf32>
    %dot_general3A_11 = tpu.matmul %max3A_7, %get3A_10, %dot_general3A {dimension_numbers = #tpu.dot_dimension_numbers<[1], [0], [0], [1], [0, 0, 1, 1], [], []>, transpose_lhs_hint = false} : vector<3200x128xf32>, vector<128x128xf32>, vector<3200x128xf32> -> vector<3200x128xf32>
    %get3A_12 = arith.constant 0 : index
    %get3A_13 = arith.constant 0 : index
    %get3A_14 = vector.load %arg4[%get3A_12, %get3A_13] : memref<1x128xf32, #tpu.memory_space<vmem>>, vector<1x128xf32>
    %add3A_15 = vector.broadcast %get3A_14 : vector<1x128xf32> to vector<3200x128xf32>
    %add3A_16 = arith.addf %dot_general3A_11, %add3A_15 : vector<3200x128xf32>
    %max3A_17 = arith.constant 0.000000e+00 : f32
    %max3A_18 = vector.broadcast %max3A_17 : f32 to vector<3200x128xf32>
    %max3A_19 = arith.maximumf %add3A_16, %max3A_18 : vector<3200x128xf32>
    %get3A_20 = arith.constant 0 : index
    %get3A_21 = arith.constant 0 : index
    %get3A_22 = vector.load %arg5[%get3A_20, %get3A_21] : memref<128x128xf32, #tpu.memory_space<vmem>>, vector<128x128xf32>
    %dot_general3A_23 = arith.constant dense<0.000000e+00> : vector<3200x128xf32>
    %dot_general3A_24 = tpu.matmul %max3A_19, %get3A_22, %dot_general3A_23 {dimension_numbers = #tpu.dot_dimension_numbers<[1], [0], [0], [1], [0, 0, 1, 1], [], []>, transpose_lhs_hint = false} : vector<3200x128xf32>, vector<128x128xf32>, vector<3200x128xf32> -> vector<3200x128xf32>
    %get3A_25 = arith.constant 0 : index
    %get3A_26 = arith.constant 0 : index
    %get3A_27 = vector.load %arg6[%get3A_25, %get3A_26] : memref<1x128xf32, #tpu.memory_space<vmem>>, vector<1x128xf32>
    %add3A_28 = vector.broadcast %get3A_27 : vector<1x128xf32> to vector<3200x128xf32>
    %add3A_29 = arith.addf %dot_general3A_24, %add3A_28 : vector<3200x128xf32>
    %max3A_30 = arith.constant 0.000000e+00 : f32
    %max3A_31 = vector.broadcast %max3A_30 : f32 to vector<3200x128xf32>
    %max3A_32 = arith.maximumf %add3A_29, %max3A_31 : vector<3200x128xf32>
    %get3A_33 = arith.constant 0 : index
    %get3A_34 = arith.constant 0 : index
    %get3A_35 = vector.load %arg7[%get3A_33, %get3A_34] : memref<128x128xf32, #tpu.memory_space<vmem>>, vector<128x128xf32>
    %dot_general3A_36 = arith.constant dense<0.000000e+00> : vector<3200x128xf32>
    %dot_general3A_37 = tpu.matmul %max3A_32, %get3A_35, %dot_general3A_36 {dimension_numbers = #tpu.dot_dimension_numbers<[1], [0], [0], [1], [0, 0, 1, 1], [], []>, transpose_lhs_hint = false} : vector<3200x128xf32>, vector<128x128xf32>, vector<3200x128xf32> -> vector<3200x128xf32>
    %get3A_38 = arith.constant 0 : index
    %get3A_39 = arith.constant 0 : index
    %get3A_40 = vector.load %arg8[%get3A_38, %get3A_39] : memref<1x128xf32, #tpu.memory_space<vmem>>, vector<1x128xf32>
    %add3A_41 = vector.broadcast %get3A_40 : vector<1x128xf32> to vector<3200x128xf32>
    %add3A_42 = arith.addf %dot_general3A_37, %add3A_41 : vector<3200x128xf32>
    %get3A_43 = arith.constant 0 : index
    %get3A_44 = arith.constant 0 : index
    %get3A_45 = vector.load %arg9[%get3A_43, %get3A_44] : memref<1x128xf32, #tpu.memory_space<vmem>>, vector<1x128xf32>
    %get3A_46 = arith.constant 0 : index
    %get3A_47 = arith.constant 0 : index
    %get3A_48 = vector.load %arg10[%get3A_46, %get3A_47] : memref<1x128xf32, #tpu.memory_space<vmem>>, vector<1x128xf32>
    %reduce_sum3A = arith.constant dense<0.000000e+00> : vector<3200xf32>
    %reduce_sum3A_49 = vector.multi_reduction <add>, %add3A_42, %reduce_sum3A [1] : vector<3200x128xf32> to vector<3200xf32>
    %broadcast_in_dim3A = vector.shape_cast %reduce_sum3A_49 : vector<3200xf32> to vector<3200x1xf32>
    %div3A = arith.constant 1.280000e+02 : f32
    %div3A_50 = vector.broadcast %div3A : f32 to vector<3200x1xf32>
    %div3A_51 = arith.divf %broadcast_in_dim3A, %div3A_50 : vector<3200x1xf32>
    %sub3A = vector.broadcast %div3A_51 : vector<3200x1xf32> to vector<3200x128xf32>
    %sub3A_52 = arith.subf %add3A_42, %sub3A : vector<3200x128xf32>
    %integer_pow3A = arith.mulf %sub3A_52, %sub3A_52 : vector<3200x128xf32>
    %reduce_sum3A_53 = arith.constant dense<0.000000e+00> : vector<3200xf32>
    %reduce_sum3A_54 = vector.multi_reduction <add>, %integer_pow3A, %reduce_sum3A_53 [1] : vector<3200x128xf32> to vector<3200xf32>
    %broadcast_in_dim3A_55 = vector.shape_cast %reduce_sum3A_54 : vector<3200xf32> to vector<3200x1xf32>
    %div3A_56 = arith.constant 1.280000e+02 : f32
    %div3A_57 = vector.broadcast %div3A_56 : f32 to vector<3200x1xf32>
    %div3A_58 = arith.divf %broadcast_in_dim3A_55, %div3A_57 : vector<3200x1xf32>
    %sub3A_59 = vector.broadcast %div3A_51 : vector<3200x1xf32> to vector<3200x128xf32>
    %sub3A_60 = arith.subf %add3A_42, %sub3A_59 : vector<3200x128xf32>
    %add3A_61 = arith.constant 9.99999974E-6 : f32
    %add3A_62 = vector.broadcast %add3A_61 : f32 to vector<3200x1xf32>
    %add3A_63 = arith.addf %div3A_58, %add3A_62 : vector<3200x1xf32>
    %rsqrt3A = math.rsqrt %add3A_63 : vector<3200x1xf32>
    %mul3A = vector.broadcast %rsqrt3A : vector<3200x1xf32> to vector<3200x128xf32>
    %mul3A_64 = arith.mulf %sub3A_60, %mul3A : vector<3200x128xf32>
    %mul3A_65 = vector.broadcast %get3A_45 : vector<1x128xf32> to vector<3200x128xf32>
    %mul3A_66 = arith.mulf %mul3A_64, %mul3A_65 : vector<3200x128xf32>
    %add3A_67 = vector.broadcast %get3A_48 : vector<1x128xf32> to vector<3200x128xf32>
    %add3A_68 = arith.addf %mul3A_66, %add3A_67 : vector<3200x128xf32>
    %swap3A = arith.constant 0 : index
    %swap3A_69 = arith.constant 0 : index
    %swap3A_70 = vector.load %arg11[%swap3A, %swap3A_69] : memref<3200x128xf32, #tpu.memory_space<vmem>>, vector<3200x128xf32>
    tpu.vector_store %arg11[%swap3A, %swap3A_69], %add3A_68 {strides = array<i32>} : memref<3200x128xf32, #tpu.memory_space<vmem>>, vector<3200x128xf32>,
    return
  }
  func.func @transform_0(%arg0: i32) -> (i32, i32) {
    %c0_i32 = arith.constant 0 : i32
    %c0_i32_0 = arith.constant 0 : i32
    return %arg0, %c0_i32 : i32, i32
  }
  func.func @transform_1(%arg0: i32) -> (i32, i32) {
    %c0_i32 = arith.constant 0 : i32
    %c0_i32_0 = arith.constant 0 : i32
    %c0_i32_1 = arith.constant 0 : i32
    return %c0_i32, %c0_i32_0 : i32, i32
  }
  func.func @transform_2(%arg0: i32) -> (i32, i32) {
    %c0_i32 = arith.constant 0 : i32
    %c0_i32_0 = arith.constant 0 : i32
    %c0_i32_1 = arith.constant 0 : i32
    return %c0_i32, %c0_i32_0 : i32, i32
  }
  func.func @transform_3(%arg0: i32) -> (i32, i32) {
    %c0_i32 = arith.constant 0 : i32
    %c0_i32_0 = arith.constant 0 : i32
    %c0_i32_1 = arith.constant 0 : i32
    return %c0_i32, %c0_i32_0 : i32, i32
  }
  func.func @transform_4(%arg0: i32) -> (i32, i32) {
    %c0_i32 = arith.constant 0 : i32
    %c0_i32_0 = arith.constant 0 : i32
    %c0_i32_1 = arith.constant 0 : i32
    return %c0_i32, %c0_i32_0 : i32, i32
  }
  func.func @transform_5(%arg0: i32) -> (i32, i32) {
    %c0_i32 = arith.constant 0 : i32
    %c0_i32_0 = arith.constant 0 : i32
    %c0_i32_1 = arith.constant 0 : i32
    return %c0_i32, %c0_i32_0 : i32, i32
  }
  func.func @transform_6(%arg0: i32) -> (i32, i32) {
    %c0_i32 = arith.constant 0 : i32
    %c0_i32_0 = arith.constant 0 : i32
    %c0_i32_1 = arith.constant 0 : i32
    return %c0_i32, %c0_i32_0 : i32, i32
  }
  func.func @transform_7(%arg0: i32) -> (i32, i32) {
    %c0_i32 = arith.constant 0 : i32
    %c0_i32_0 = arith.constant 0 : i32
    %c0_i32_1 = arith.constant 0 : i32
    return %c0_i32, %c0_i32_0 : i32, i32
  }
  func.func @transform_8(%arg0: i32) -> (i32, i32) {
    %c0_i32 = arith.constant 0 : i32
    %c0_i32_0 = arith.constant 0 : i32
    %c0_i32_1 = arith.constant 0 : i32
    return %c0_i32, %c0_i32_0 : i32, i32
  }
  func.func @transform_9(%arg0: i32) -> (i32, i32) {
    %c0_i32 = arith.constant 0 : i32
    %c0_i32_0 = arith.constant 0 : i32
    %c0_i32_1 = arith.constant 0 : i32
    return %c0_i32, %c0_i32_0 : i32, i32
  }
  func.func @transform_10(%arg0: i32) -> (i32, i32) {
    %c0_i32 = arith.constant 0 : i32
    %c0_i32_0 = arith.constant 0 : i32
    return %arg0, %c0_i32 : i32, i32
  }
}

</mosaic_0001>

<sc_bundles>
// kernel: kernel.10.cloned.1.call-start
scs
__scs_entry_jumppad:
0x0: {  	(pc) =	sbr.rel $0x88, $3  }
0x1: {  	(tag) =	ssettag $0x0;
	lr =	simm.s32 $0x1  }
0x2: {  	[smem:$0x3F81] =	sst lr;
	_ =	strace $0xD0000000  }
0x3: {  	_ = 	snop  }
0x4: {  	_ = 	snop  }
0x5: {  	_ = 	snop  }
0x6: {  	_ = 	snop  }
0x7: {  	_ = 	snop  }
__scs_overlays_trampoline_lowered:
0x8: {  	[smem:$0x3F90] =	sst s0  }
0x9: {  	[smem:$0x3F91] =	sst s1  }
0xa: {  	[smem:$0x3F92] =	sst s2  }
0xb: {  	[smem:$0x3F93] =	sst s3  }
0xc: {  	[smem:$0x3F94] =	sst s4  }
0xd: {  	[smem:$0x3F95] =	sst s5  }
0xe: {  	[smem:$0x3F96] =	sst s6  }
0xf: {  	[smem:$0x3F97] =	sst s7  }
0x10: {  	[smem:$0x3F98] =	sst s8  }
0x11: {  	[smem:$0x3F99] =	sst s9;
	s0 =	simm.s32 @!p0 $0x0  }
0x12: {  	s1 =	sld [smem:$0x3F7F];
	s0 =	simm.s32 @p0 $0x1  }
0x13: {  	[smem:$0x3F9A] =	sst s0;
	s0 =	simm.s32 @!p1 $0x0  }
0x14: {  	s2 =	sld [smem:$0x3F7E];
	s0 =	simm.s32 @p1 $0x1  }
0x15: {  	[smem:$0x3F9B] =	sst s0;
	s0 =	simm.s32 @!p2 $0x0  }
0x16: {  	s3 =	sld [smem:$0x3FDB];
	s0 =	simm.s32 @p2 $0x1  }
0x17: {  	s4 =	simm.s32 $0x1BF5;
	[smem:$0x3F9D] =	sst s0  }
0x18: {  	s0 =	sld [smem:$0x3F80];
	_ =	swait.ge [sflag:s4], $0x0  }
0x19: {  	s7 =	sld [smem:$0x3F81]  }
0x1a: {  	s8 =	sadd.s32 $0xFFFFE003, lr  }
0x1b: {  	s9 =	sadd.s32 $0xFFFFFEF7, lr;
	s5 =	simm.s32 $0xFFFFFFFF;
	p2 =	slt.u32 s8, $0xFFFFF086  }
0x1c: {  	p1 =	slt.u32 s9, $0xF7A;
	s5 =	simm.s32 @!p2 $0x0  }
0x1d: {  	s5 =	simm.s32 @p1 $0x1;
	p0 =	seq.s32 s7, s2  }
0x1e: {  	s7 =	smul.u32 @!p0 $0xF7A, s2;
	p2 =	seq.s32 @!p0 s5, $0x0  }
0x1f: {  	s9 =	smul.u32 $0xF7A, s1;
	s8 =	simm.s32 @!p0 $0x1BF5;
	p2 =	por !p2, p0  }
0x20: {  	[sflag:s8] =	ssyncset.s32 @!p0 $0xFFFFF086;
	s6 =	sadd.s32 @!p0 s3, s7;
	s7 =	simm.s32 @!p0 $0x108  }
0x21: {  	s3 =	sadd.s32 s3, s9;
	s6 =	sadd.s32 @!p0 $0x88, s6;
	s7 =	simm.s32 @p2 $0x1082  }
0x22: {  	[simem:s7], [sflag:s8] =	dma.local @!p0 [hbm:s6], $0xF7A  }
0x23: {  	s9 =	sor.u32 $0xD0000000, s2;
	s6 =	simm.s32 $0x108;
	_ =	swait.ge @!p0 [sflag:s8], $0x0  }
0x24: {  	s3 =	sadd.s32 $0x88, s3;
	s6 =	simm.s32 @!p1 $0x1082;
	[sflag:s4] =	ssyncset.s32 $0xFFFFF086  }
0x25: {  	[simem:s6], [sflag:s4] =	dma.local [hbm:s3], $0xF7A  }
0x26: {  	[smem:$0x3F81] =	sst s1;
	(tag) =	ssettag s2;
	_ =	strace s9  }
0x27: {  	s1 =	sld [smem:$0x3F91]  }
0x28: {  	s2 =	sld [smem:$0x3F92]  }
0x29: {  	s4 =	sld [smem:$0x3F94]  }
0x2a: {  	p0 =	seq.s32 s5, $0x0;
	s5 =	sld [smem:$0x3F95]  }
0x2b: {  	s6 =	sld [smem:$0x3F96]  }
0x2c: {  	s7 =	sld [smem:$0x3F97]  }
0x2d: {  	s3 =	simm.s32 $0x108;
	s8 =	sld [smem:$0x3F98]  }
0x2e: {  	s3 =	simm.s32 @!p0 $0x1082;
	s9 =	sld [smem:$0x3F99]  }
0x2f: {  	lr =	sadd.s32 s0, s3;
	s0 =	sld [smem:$0x3F90]  }
0x30: {  	s3 =	sld [smem:$0x3F93]  }
0x31: {  	[smem:$0x3F9C] =	sst s10  }
0x32: {  	s10 =	sld [smem:$0x3F9A];
	_ =	sdelay $0x3  }
0x33: {  	p0 =	seq.s32 s10, $0x1;
	s10 =	sld [smem:$0x3F9C];
	_ =	sdelay $0x3  }
0x34: {  	[smem:$0x3F9C] =	sst s10  }
0x35: {  	s10 =	sld [smem:$0x3F9B];
	_ =	sdelay $0x3  }
0x36: {  	p1 =	seq.s32 s10, $0x1;
	s10 =	sld [smem:$0x3F9C];
	_ =	sdelay $0x3  }
0x37: {  	[smem:$0x3F9C] =	sst s10  }
0x38: {  	s10 =	sld [smem:$0x3F9D]  }
0x39: {  	_ = 	snop;
	(pc) =	sbr.ind lr, $3  }
0x3a: {  	_ = 	snop  }
0x3b: {  	_ = 	snop  }
0x3c: {  	p2 =	seq.s32 s10, $0x1;
	s10 =	sld [smem:$0x3F9C]  }
0x3d: {  	_ =	shalt  }
0x3e: {  	_ =	shalt  }
0x3f: {  	_ =	shalt  }
0x40: {  	_ =	shalt  }
0x41: {  	_ =	shalt  }
0x42: {  	_ =	shalt  }
0x43: {  	_ =	shalt  }
0x44: {  	_ =	shalt  }
0x45: {  	_ =	shalt  }
0x46: {  	_ =	shalt  }
0x47: {  	_ =	shalt  }
0x48: {  	_ =	shalt  }
0x49: {  	_ =	shalt  }
0x4a: {  	_ =	shalt  }
0x4b: {  	_ =	shalt  }
0x4c: {  	_ =	shalt  }
0x4d: {  	_ =	shalt  }
0x4e: {  	_ =	shalt  }
0x4f: {  	_ =	shalt  }
0x50: {  	_ =	shalt  }
0x51: {  	_ =	shalt  }
0x52: {  	_ =	shalt  }
0x53: {  	_ =	shalt  }
0x54: {  	_ =	shalt  }
0x55: {  	_ =	shalt  }
0x56: {  	_ =	shalt  }
0x57: {  	_ =	shalt  }
0x58: {  	_ =	shalt  }
0x59: {  	_ =	shalt  }
0x5a: {  	_ =	shalt  }
0x5b: {  	_ =	shalt  }
0x5c: {  	_ =	shalt  }
0x5d: {  	_ =	shalt  }
0x5e: {  	_ =	shalt  }
0x5f: {  	_ =	shalt  }
0x60: {  	_ =	shalt  }
0x61: {  	_ =	shalt  }
0x62: {  	_ =	shalt  }
0x63: {  	_ =	shalt  }
0x64: {  	_ =	shalt  }
0x65: {  	_ =	shalt  }
0x66: {  	_ =	shalt  }
0x67: {  	_ =	shalt  }
0x68: {  	_ =	shalt  }
0x69: {  	_ =	shalt  }
0x6a: {  	_ =	shalt  }
0x6b: {  	_ =	shalt  }
0x6c: {  	_ =	shalt  }
0x6d: {  	_ =	shalt  }
0x6e: {  	_ =	shalt  }
0x6f: {  	_ =	shalt  }
0x70: {  	_ =	shalt  }
0x71: {  	_ =	shalt  }
0x72: {  	_ =	shalt  }
0x73: {  	_ =	shalt  }
0x74: {  	_ =	shalt  }
0x75: {  	_ =	shalt  }
0x76: {  	_ =	shalt  }
0x77: {  	_ =	shalt  }
0x78: {  	_ =	shalt  }
0x79: {  	_ =	shalt  }
0x7a: {  	_ =	shalt  }
0x7b: {  	_ =	shalt  }
0x7c: {  	_ =	shalt  }
0x7d: {  	_ =	shalt  }
0x7e: {  	_ =	shalt  }
0x7f: {  	_ =	shalt  }
0x80: {  	_ =	shalt  }
0x81: {  	_ =	shalt  }
0x82: {  	_ =	shalt  }
0x83: {  	_ =	shalt  }
0x84: {  	_ =	shalt  }
0x85: {  	_ =	shalt  }
0x86: {  	_ =	shalt  }
0x87: {  	_ =	shalt  }
.Lfunc_end0:
.L_simem_size_0:
called_computation.1_lowered:
.L_overlay_start_0:
0x88: {  	s2 =	sld [smem:$0x3FD9]  }
0x89: {  	s3 =	sld [smem:$0x3FFE];
	_ =	sdelay $0x1  }
0x8a: {  	s1 =	srdreg.scid  }
0x8b: {  	s0 =	sand.u32 $0x1, s1  }
0x8c: {  	s14 =	sshll.u32 s0, $0xA;
	s2 =	sadd.s32 s3, s2  }
0x8d: {  	s2 =	sadd.s32 s2, s14  }
0x8e: {  	[smem:$0x3FA8] =	sst s2  }
0x8f: {  	_ = 	snop  }
0x90: {  	s2 =	sld [smem:$0x3FD0];
	_ =	sdelay $0x2  }
0x91: {  	s15 =	simm.s32 $0xA;
	s4 =	simm.s32 $0x10  }
0x92: {  	[smem:s4], [sflag:s15] =	dma.local [hbm:s2], $0x1  }
0x93: {  	_ =	swait.eq [sflag:s15], $0x1  }
0x94: {  	[sflag:s15] =	ssyncset.done $0x0  }
0x95: {  	[sflag:s15] =	ssyncadd.s32 $0xFFFFFFFF  }
0x96: {  	s16 =	sld [smem:$0x11];
	(tm) =	ssettm $0x1  }
0x97: {  	s17 =	sld [smem:$0x3FFB];
	_ =	sdelay $0x3  }
0x98: {  	_ =	strace s17  }
0x99: {  	s3 =	sld [smem:$0x3FFC];
	_ =	sdelay $0x3  }
0x9a: {  	_ =	strace s3  }
0x9b: {  	s3 =	sld [smem:$0x3FFD];
	_ =	sdelay $0x3  }
0x9c: {  	_ =	strace s3  }
0x9d: {  	_ =	strace $0x8FFFFFFF  }
0x9e: {  	s18 =	sld [smem:$0x3FDB];
	_ =	sdelay $0x1  }
0x9f: {  	s19 =	simm.s32 $_scs_section_size  }
0xa0: {  	s5 =	simm.s32 $_size__tile_overlayer_lowered;
	s6 =	simm.s32 $_tile_overlayer_lowered  }
0xa1: {  	s22 =	simm.s32 $0x1BFF;
	s21 =	sshll.u32 s6, $0x1;
	s3 =	sadd.s32 s19, s18  }
0xa2: {  	s7 =	simm.s32 $0x0;
	s20 =	sshll.u32 s5, $0x1;
	s5 =	sadd.s32 s21, s3  }
0xa3: {  	[timem:s7], [sflag:s22] =	dma.local [hbm:s5], s20  }
0xa4: {  	_ =	swait.ge [sflag:s22], s20  }
0xa5: {  	s4 =	ssub.s32 $0x0, s20;
	[sflag:s22] =	ssyncset.done $0x0  }
0xa6: {  	[sflag:s22] =	ssyncadd.s32 s4;
	_ =	sdelay $0x1  }
0xa7: {  	s23 =	simm.s32 $0x1B8B  }
0xa8: {  	_ =	swait.ge [sflag:s23], $0x1  }
0xa9: {  	[sflag:s23] =	ssyncset.done $0x0  }
0xaa: {  	s25 =	simm.s32 $0x1B8E;
	s24 =	sld [smem:$0x3FFE];
	[sflag:s23] =	ssyncadd.s32 $0xFFFFFFFF  }
0xab: {  	s26 =	simm.s32 $execute0_lowered;
	[smem:$0x3FD2] =	sst s25  }
0xac: {  	s5 =	sshll.u32 s26, $0x1;
	_ =	strace $0x80000049;
	[dreg:$0x1] =	wrdreg $0xFFFFFFFF  }
0xad: {  	s28 =	simm.s32 $_size_execute0_lowered;
	s3 =	sadd.s32 s3, s5;
	[dreg:$0x0] =	wrdreg $0x0  }
0xae: {  	s5 =	sshll.u32 s28, $0x1;
	[dreg:$0x2] =	wrdreg s3  }
0xaf: {  	[dreg:$0x3] =	wrdreg s5  }
0xb0: {  	[dreg:$0x4] =	wrdreg $0xC0  }
0xb1: {  	_ =	task [dreg:s7], $0x5FFFF  }
0xb2: {  	[dreg:$0x1] =	wrdreg $0xFFFFFFFF  }
0xb3: {  	[dreg:$0x0] =	wrdreg $0x60  }
0xb4: {  	[dreg:$0x2] =	wrdreg s16  }
0xb5: {  	[dreg:$0x3] =	wrdreg s24  }
0xb6: {  	[dreg:$0x4] =	wrdreg $0x9  }
0xb7: {  	_ =	task.clear_ibuf [dreg:s7], $0x5FFFF;
	_ =	strace $0x90000049  }
0xb8: {  	s29 =	simm.s32 $0x9;
	_ =	strace $0x8000004B  }
0xb9: {  	_ =	swait.ge [sflag:s29], $0x1  }
0xba: {  	[sflag:s29] =	ssyncadd.s32 $0xFFFFFFFF  }
0xbb: {  	_ =	strace $0x9000004B  }
0xbc: {  	_ =	sfence  }
0xbd: {  	s30 =	sld [smem:$0x0];
	_ =	sdelay $0x2  }
0xbe: {  	s31 =	sshll.u32 s1, $0xD;
	s1 =	sshrl.u32 s1, $0x2  }
0xbf: {  	s3 =	sand.u32 $0x4000, s31;
	s1 =	sadd.s32 s1, s30  }
0xc0: {  	s0 =	sor.u32 s3, s0;
	s1 =	sshll.u32 s1, $0x11  }
0xc1: {  	s0 =	sor.u32 s1, s0  }
0xc2: {  	s0 =	sadd.s32 $0x8F2B, s0  }
0xc3: {  	[sflag:s0] =	ssyncadd.remote.s32 $0x1  }
0xc4: {  	_ =	sfence.sel $0xFFFF  }
0xc5: {  	[dreg:$0x0] =	wrdreg $0xFFFFFFFF;
	(pc) =	sbr.abs _section_cstart, $3  }
0xc6: {  	[dreg:$0x1] =	wrdreg $0xFFFFFFFF  }
0xc7: {  	_ =	task.clear_ibuf [dreg:s7], $0x2FFFF;
	_ =	strace $0x9FFFFFFF  }
0xc8: {  	(tm) =	ssettm $0x7FFFFFFF  }
0xc9: {  	_ =	shalt  }
tec
execute0_lowered:
.L_overlay_start_1:
0x0: {  	(tag) =	ssettag $0x1  }
0x1: {  	s1 =	rddreg [dreg:$0x0]  }
0x2: {  	s7 =	rddreg [dreg:$0x1]  }
0x3: {  	s0 =	rddreg [dreg:$0x2]  }
0x4: {  	s2 =	simm.s32 $0x0;
	s8 =	srdreg.scid;
	s3 =	stileid.u32  }
0x5: {  	s13 =	simm.s32 $0x4080;
	s14 =	simm.s32 $0x80;
	s15 =	simm.s32 $0x0  }
0x6: {  	[smem:$0x7FF] =	sst s2;
	s4 =	sadd.s32 $0x18400, s7;
	s5 =	sadd.s32 $0xE600, s7  }
0x7: {  	s6 =	sadd.s32 $0x4800, s7;
	s10 =	sand.u32 $0x1, s8;
	s26 =	sshll.u32 s3, $0xC  }
0x8: {  	s11 =	sshll.u32 s3, $0x1;
	s31 =	sshll.u32 s3, $0x8;
	_ =	strace $0x8000004A  }
0x9: {  	s9 =	ssub.s32 $0x2, s10;
	s12 =	sadd.s32 s26, s7;
	s29 =	sor.u32 s11, s10  }
0xa: {  	s30 =	sshll.u32 s10, $0xB;
	s10 =	sshll.u32 s10, $0x7;
	s11 =	simm.s32 $0x4000  }
0xb: {  	s28 =	sshrl.u32 s9, $0x1;
	s8 =	ssub.s32 $0x9E3, s29;
	s10 =	sor.u32 s10, s31  }
0xc: {  	s7 =	ssub.s32 s9, s28;
	s8 =	sshrl.u32 s8, $0x5;
	s9 =	sadd.s32 s30, s12  }
0xd: {  	s12 =	simm.s32 $0x1;
	s7 =	smax.u32 s7, $0x1;
	s9 =	sadd.s32 $0x3F600, s9  }
.LBB2_1:
0xe: {  	p1 =	sne.s32 s8, $0x1  }
.Ltmp0:
0xf: {  	_ = 	snop;
	(pc) =	sbr.rel @!p1 .LBB2_2-.Ltmp0, $2  }
0x10: {  	_ =	sdelay $0x2  }
0x11: {  	s16 =	sadd.s32 $0xFFFFFFFF, s8;
	s19 =	sshrl.u32 s10, $0x3;
	p0 =	por $0x0, $0x0  }
0x12: {  	s17 =	sadd.s32 s5, s19  }
0x13: {  	[tilespmem:s11], [sflag:$0x1] =	stream.linear.gather [hbm4b:s17+s2], $0x80, $0x38;
	[tilespmem:$0x4100] =	vst v63  }
0x14: {  	_ =	swait.ge [sflag:s12], $0x80  }
0x15: {  	[sflag:s12] =	ssyncset.done $0x0  }
0x16: {  	s31 =	sadd.s32 s6, s19;
	[sflag:s12] =	ssyncadd.s32 $0xFFFFFF80  }
0x17: {  	[tilespmem:s13], [sflag:$0x1] =	stream.linear.gather [hbm4b:s31+s2], $0x80, $0x38;
	[tilespmem:$0x4100] =	vst v63  }
0x18: {  	_ =	swait.ge [sflag:s12], $0x80  }
0x19: {  	[sflag:s12] =	ssyncset.done $0x0  }
0x1a: {  	[sflag:s12] =	ssyncadd.s32 $0xFFFFFF80  }
0x1b: {  	[tilespmem:s2], [sflag:$0x1] =	stream.indirect.gather [hbm4b:s1+s14], $0x80, s11, s14, $0xb8;
	[tilespmem:$0x4100] =	vst v63  }
0x1c: {  	_ =	swait.ge [sflag:s12], $0x4000  }
0x1d: {  	[sflag:s12] =	ssyncset.done $0x0  }
0x1e: {  	[sflag:s12] =	ssyncadd.s32 $0xFFFFC000  }
0x1f: {  	[tilespmem:s2], [sflag:$0x1] =	stream.indirect.gather.add.f32 [hbm:s4], $0x80, s13, s14, $0xb8;
	[tilespmem:$0x4100] =	vst v63  }
0x20: {  	p1 =	sne.s32 s16, $0x1;
	_ =	swait.ge [sflag:s12], $0x4000  }
.Ltmp1:
0x21: {  	[sflag:s12] =	ssyncset.done $0x0;
	(pc) =	sbr.rel @!p1 .LBB2_4-.Ltmp1, $4  }
0x22: {  	s18 =	sadd.s32 $0x1000, s10;
	[sflag:s12] =	ssyncadd.s32 $0xFFFFC000  }
0x23: {  	[hbm4b:s9+s2] =	stream.linear.scatter [tilespmem:s2], [sflag:$0x1], $0x4000, $0x38;
	[tilespmem:$0x4100] =	vst v63  }
0x24: {  	p0 =	por $0x1, $0x1;
	s17 =	sadd.s32 $0xFFFFFFFF, s16;
	_ =	swait.ge [sflag:s12], $0x4000  }
0x25: {  	s19 =	sshrl.u32 s18, $0x3;
	s16 =	smov.u32 s9;
	[sflag:s12] =	ssyncset.done $0x0  }
.LBB2_5:
0x26: {  	s20 =	sadd.s32 s5, s19;
	[sflag:s12] =	ssyncadd.s32 $0xFFFFC000;
	s16 =	sadd.s32 $0x10000, s16  }
0x27: {  	[tilespmem:s11], [sflag:$0x1] =	stream.linear.gather [hbm4b:s20+s2], $0x80, $0x38;
	[tilespmem:$0x4100] =	vst v63  }
0x28: {  	p1 =	sne.s32 s17, $0x1;
	s17 =	sadd.s32 $0xFFFFFFFF, s17;
	_ =	swait.ge [sflag:s12], $0x80  }
0x29: {  	[sflag:s12] =	ssyncset.done $0x0  }
0x2a: {  	s19 =	sadd.s32 s6, s19;
	[sflag:s12] =	ssyncadd.s32 $0xFFFFFF80  }
0x2b: {  	[tilespmem:s13], [sflag:$0x1] =	stream.linear.gather [hbm4b:s19+s2], $0x80, $0x38;
	[tilespmem:$0x4100] =	vst v63  }
0x2c: {  	_ =	swait.ge [sflag:s12], $0x80  }
0x2d: {  	[sflag:s12] =	ssyncset.done $0x0  }
0x2e: {  	[sflag:s12] =	ssyncadd.s32 $0xFFFFFF80  }
0x2f: {  	[tilespmem:s2], [sflag:$0x1] =	stream.indirect.gather [hbm4b:s1+s14], $0x80, s11, s14, $0xb8;
	[tilespmem:$0x4100] =	vst v63  }
0x30: {  	_ =	swait.ge [sflag:s12], $0x4000  }
0x31: {  	[sflag:s12] =	ssyncset.done $0x0  }
0x32: {  	[sflag:s12] =	ssyncadd.s32 $0xFFFFC000  }
0x33: {  	[tilespmem:s2], [sflag:$0x1] =	stream.indirect.gather.add.f32 [hbm:s4], $0x80, s13, s14, $0xb8;
	[tilespmem:$0x4100] =	vst v63  }
0x34: {  	_ =	swait.ge [sflag:s12], $0x4000  }
.Ltmp2:
0x35: {  	[sflag:s12] =	ssyncset.done $0x0;
	(pc) =	sbr.rel @p1 .LBB2_5-.Ltmp2, $4  }
0x36: {  	[sflag:s12] =	ssyncadd.s32 $0xFFFFC000  }
0x37: {  	[hbm4b:s16+s2] =	stream.linear.scatter [tilespmem:s2], [sflag:$0x1], $0x4000, $0x38;
	[tilespmem:$0x4100] =	vst v63  }
0x38: {  	s18 =	sadd.s32 $0x1000, s18;
	_ =	swait.ge [sflag:s12], $0x4000  }
0x39: {  	s19 =	sshrl.u32 s18, $0x3;
	[sflag:s12] =	ssyncset.done $0x0  }
.LBB2_6:
0x3a: {  	s17 =	sadd.s32 s5, s19;
	[sflag:s12] =	ssyncadd.s32 @p0 $0xFFFFC000  }
0x3b: {  	[tilespmem:s11], [sflag:$0x1] =	stream.linear.gather [hbm4b:s17+s2], $0x80, $0x38;
	[tilespmem:$0x4100] =	vst v63  }
0x3c: {  	_ =	swait.ge [sflag:s12], $0x80  }
0x3d: {  	[sflag:s12] =	ssyncset.done $0x0  }
0x3e: {  	s31 =	sadd.s32 s6, s19;
	[sflag:s12] =	ssyncadd.s32 $0xFFFFFF80  }
0x3f: {  	[tilespmem:s13], [sflag:$0x1] =	stream.linear.gather [hbm4b:s31+s2], $0x80, $0x38;
	[tilespmem:$0x4100] =	vst v63  }
0x40: {  	_ =	swait.ge [sflag:s12], $0x80  }
0x41: {  	[sflag:s12] =	ssyncset.done $0x0  }
0x42: {  	[sflag:s12] =	ssyncadd.s32 $0xFFFFFF80  }
0x43: {  	[tilespmem:s2], [sflag:$0x1] =	stream.indirect.gather [hbm4b:s1+s14], $0x80, s11, s14, $0xb8;
	[tilespmem:$0x4100] =	vst v63  }
0x44: {  	_ =	swait.ge [sflag:s12], $0x4000  }
0x45: {  	[sflag:s12] =	ssyncset.done $0x0  }
0x46: {  	[sflag:s12] =	ssyncadd.s32 $0xFFFFC000  }
0x47: {  	[tilespmem:s2], [sflag:$0x1] =	stream.indirect.gather.add.f32 [hbm:s4], $0x80, s13, s14, $0xb8;
	[tilespmem:$0x4100] =	vst v63  }
0x48: {  	s16 =	sadd.s32 @p0 $0x10000, s16;
	_ =	swait.ge [sflag:s12], $0x4000  }
0x49: {  	s15 =	sadd.s32 $0x1, s15;
	s17 =	smov.u32 s9;
	[sflag:s12] =	ssyncset.done $0x0  }
0x4a: {  	s17 =	smov.u32 @p0 s16;
	p0 =	sne.s32 s15, s7;
	[sflag:s12] =	ssyncadd.s32 $0xFFFFC000  }
0x4b: {  	[hbm4b:s17+s2] =	stream.linear.scatter [tilespmem:s2], [sflag:$0x1], $0x4000, $0x38;
	[tilespmem:$0x4100] =	vst v63  }
.Ltmp3:
0x4c: {  	_ = 	snop;
	(pc) =	sbr.rel @p0 .LBB2_1-.Ltmp3, $4  }
.Ltmp4:
0x4d: {  	_ = 	snop;
	(pc) =	sbr.rel @!p0 .LBB2_7-.Ltmp4, $4  }
0x4e: {  	_ =	swait.ge [sflag:s12], $0x4000  }
0x4f: {  	[sflag:s12] =	ssyncset.done $0x0  }
0x50: {  	[sflag:s12] =	ssyncadd.s32 $0xFFFFC000  }
0x51: {  	_ = 	snop  }
.LBB2_2:
.Ltmp5:
0x52: {  	(pc) =	sbr.rel .LBB2_6-.Ltmp5, $2  }
0x53: {  	_ =	sdelay $0x2  }
0x54: {  	s16 =	smov.u32 s9  }
.LBB2_4:
.Ltmp6:
0x55: {  	(pc) =	sbr.rel .LBB2_6-.Ltmp6, $2  }
0x56: {  	_ =	sdelay $0x2  }
0x57: {  	s16 =	smov.u32 s9  }
.LBB2_7:
0x58: {  	_ =	sfence.sel $0x180000  }
0x59: {  	[bflag:$0x0] =	sbarrier.arrive $0xFFFF  }
0x5a: {  	p0 =	sne.s32 s3, $0x0;
	_ =	strace $0x9000004A  }
0x5b: {  	s0 =	sadd.s32 @!p0 $0x100000, s0;
	[bflag:$0x2] =	sbarrier.arrive $0xFFFF  }
0x5c: {  	[sflag:s0] =	ssyncadd.tile.s32 @!p0 $0x1;
	_ =	shalt  }
.Lfunc_end2:
_tile_overlayer_lowered:
.L_overlay_start_2:
0x5d: {  	(tag) =	ssettag $0x2  }
0x5e: {  	s0 =	rddreg [dreg:$0x0];
	s2 =	stileid.u32  }
0x5f: {  	s1 =	rddreg [dreg:$0x1];
	p0 =	sne.s32 s2, $0x0  }
0x60: {  	s3 =	rddreg [dreg:$0x2];
	[bflag:$0x3] =	sbarrier.arrive $0xFFFF;
	s2 =	simm.s32 @!p0 $0x1C01  }
0x61: {  	[timem:s3], [sflag:s2] =	dma.local @!p0 [hbm:s0], s1  }
0x62: {  	s0 =	simm.s32 @!p0 $0x1  }
0x63: {  	_ =	swait.ge @!p0 [sflag:s0], s1  }
0x64: {  	s1 =	ssub.s32 @!p0 $0x0, s1;
	[sflag:s0] =	ssyncset.done @!p0 $0x0  }
0x65: {  	[sflag:s0] =	ssyncadd.s32 @!p0 s1  }
0x66: {  	[bflag:$0x3] =	sbarrier.arrive $0xFFFF  }
0x67: {  	_ =	shalt  }

// kernel: kernel.7.cloned.1.call-start
scs
__scs_entry_jumppad:
0x0: {  	(pc) =	sbr.rel $0x88, $3  }
0x1: {  	(tag) =	ssettag $0x0;
	lr =	simm.s32 $0x1  }
0x2: {  	[smem:$0x3F81] =	sst lr;
	_ =	strace $0xD0000000  }
0x3: {  	_ = 	snop  }
0x4: {  	_ = 	snop  }
0x5: {  	_ = 	snop  }
0x6: {  	_ = 	snop  }
0x7: {  	_ = 	snop  }
__scs_overlays_trampoline_lowered:
0x8: {  	[smem:$0x3F90] =	sst s0  }
0x9: {  	[smem:$0x3F91] =	sst s1  }
0xa: {  	[smem:$0x3F92] =	sst s2  }
0xb: {  	[smem:$0x3F93] =	sst s3  }
0xc: {  	[smem:$0x3F94] =	sst s4  }
0xd: {  	[smem:$0x3F95] =	sst s5  }
0xe: {  	[smem:$0x3F96] =	sst s6  }
0xf: {  	[smem:$0x3F97] =	sst s7  }
0x10: {  	[smem:$0x3F98] =	sst s8  }
0x11: {  	[smem:$0x3F99] =	sst s9;
	s0 =	simm.s32 @!p0 $0x0  }
0x12: {  	s1 =	sld [smem:$0x3F7F];
	s0 =	simm.s32 @p0 $0x1  }
0x13: {  	[smem:$0x3F9A] =	sst s0;
	s0 =	simm.s32 @!p1 $0x0  }
0x14: {  	s2 =	sld [smem:$0x3F7E];
	s0 =	simm.s32 @p1 $0x1  }
0x15: {  	[smem:$0x3F9B] =	sst s0;
	s0 =	simm.s32 @!p2 $0x0  }
0x16: {  	s3 =	sld [smem:$0x3FDB];
	s0 =	simm.s32 @p2 $0x1  }
0x17: {  	s4 =	simm.s32 $0x1BF5;
	[smem:$0x3F9D] =	sst s0  }
0x18: {  	s0 =	sld [smem:$0x3F80];
	_ =	swait.ge [sflag:s4], $0x0  }
0x19: {  	s7 =	sld [smem:$0x3F81]  }
0x1a: {  	s8 =	sadd.s32 $0xFFFFE003, lr  }
0x1b: {  	s9 =	sadd.s32 $0xFFFFFEF7, lr;
	s5 =	simm.s32 $0xFFFFFFFF;
	p2 =	slt.u32 s8, $0xFFFFF086  }
0x1c: {  	p1 =	slt.u32 s9, $0xF7A;
	s5 =	simm.s32 @!p2 $0x0  }
0x1d: {  	s5 =	simm.s32 @p1 $0x1;
	p0 =	seq.s32 s7, s2  }
0x1e: {  	s7 =	smul.u32 @!p0 $0xF7A, s2;
	p2 =	seq.s32 @!p0 s5, $0x0  }
0x1f: {  	s9 =	smul.u32 $0xF7A, s1;
	s8 =	simm.s32 @!p0 $0x1BF5;
	p2 =	por !p2, p0  }
0x20: {  	[sflag:s8] =	ssyncset.s32 @!p0 $0xFFFFF086;
	s6 =	sadd.s32 @!p0 s3, s7;
	s7 =	simm.s32 @!p0 $0x108  }
0x21: {  	s3 =	sadd.s32 s3, s9;
	s6 =	sadd.s32 @!p0 $0x88, s6;
	s7 =	simm.s32 @p2 $0x1082  }
0x22: {  	[simem:s7], [sflag:s8] =	dma.local @!p0 [hbm:s6], $0xF7A  }
0x23: {  	s9 =	sor.u32 $0xD0000000, s2;
	s6 =	simm.s32 $0x108;
	_ =	swait.ge @!p0 [sflag:s8], $0x0  }
0x24: {  	s3 =	sadd.s32 $0x88, s3;
	s6 =	simm.s32 @!p1 $0x1082;
	[sflag:s4] =	ssyncset.s32 $0xFFFFF086  }
0x25: {  	[simem:s6], [sflag:s4] =	dma.local [hbm:s3], $0xF7A  }
0x26: {  	[smem:$0x3F81] =	sst s1;
	(tag) =	ssettag s2;
	_ =	strace s9  }
0x27: {  	s1 =	sld [smem:$0x3F91]  }
0x28: {  	s2 =	sld [smem:$0x3F92]  }
0x29: {  	s4 =	sld [smem:$0x3F94]  }
0x2a: {  	p0 =	seq.s32 s5, $0x0;
	s5 =	sld [smem:$0x3F95]  }
0x2b: {  	s6 =	sld [smem:$0x3F96]  }
0x2c: {  	s7 =	sld [smem:$0x3F97]  }
0x2d: {  	s3 =	simm.s32 $0x108;
	s8 =	sld [smem:$0x3F98]  }
0x2e: {  	s3 =	simm.s32 @!p0 $0x1082;
	s9 =	sld [smem:$0x3F99]  }
0x2f: {  	lr =	sadd.s32 s0, s3;
	s0 =	sld [smem:$0x3F90]  }
0x30: {  	s3 =	sld [smem:$0x3F93]  }
0x31: {  	[smem:$0x3F9C] =	sst s10  }
0x32: {  	s10 =	sld [smem:$0x3F9A];
	_ =	sdelay $0x3  }
0x33: {  	p0 =	seq.s32 s10, $0x1;
	s10 =	sld [smem:$0x3F9C];
	_ =	sdelay $0x3  }
0x34: {  	[smem:$0x3F9C] =	sst s10  }
0x35: {  	s10 =	sld [smem:$0x3F9B];
	_ =	sdelay $0x3  }
0x36: {  	p1 =	seq.s32 s10, $0x1;
	s10 =	sld [smem:$0x3F9C];
	_ =	sdelay $0x3  }
0x37: {  	[smem:$0x3F9C] =	sst s10  }
0x38: {  	s10 =	sld [smem:$0x3F9D]  }
0x39: {  	_ = 	snop;
	(pc) =	sbr.ind lr, $3  }
0x3a: {  	_ = 	snop  }
0x3b: {  	_ = 	snop  }
0x3c: {  	p2 =	seq.s32 s10, $0x1;
	s10 =	sld [smem:$0x3F9C]  }
0x3d: {  	_ =	shalt  }
0x3e: {  	_ =	shalt  }
0x3f: {  	_ =	shalt  }
0x40: {  	_ =	shalt  }
0x41: {  	_ =	shalt  }
0x42: {  	_ =	shalt  }
0x43: {  	_ =	shalt  }
0x44: {  	_ =	shalt  }
0x45: {  	_ =	shalt  }
0x46: {  	_ =	shalt  }
0x47: {  	_ =	shalt  }
0x48: {  	_ =	shalt  }
0x49: {  	_ =	shalt  }
0x4a: {  	_ =	shalt  }
0x4b: {  	_ =	shalt  }
0x4c: {  	_ =	shalt  }
0x4d: {  	_ =	shalt  }
0x4e: {  	_ =	shalt  }
0x4f: {  	_ =	shalt  }
0x50: {  	_ =	shalt  }
0x51: {  	_ =	shalt  }
0x52: {  	_ =	shalt  }
0x53: {  	_ =	shalt  }
0x54: {  	_ =	shalt  }
0x55: {  	_ =	shalt  }
0x56: {  	_ =	shalt  }
0x57: {  	_ =	shalt  }
0x58: {  	_ =	shalt  }
0x59: {  	_ =	shalt  }
0x5a: {  	_ =	shalt  }
0x5b: {  	_ =	shalt  }
0x5c: {  	_ =	shalt  }
0x5d: {  	_ =	shalt  }
0x5e: {  	_ =	shalt  }
0x5f: {  	_ =	shalt  }
0x60: {  	_ =	shalt  }
0x61: {  	_ =	shalt  }
0x62: {  	_ =	shalt  }
0x63: {  	_ =	shalt  }
0x64: {  	_ =	shalt  }
0x65: {  	_ =	shalt  }
0x66: {  	_ =	shalt  }
0x67: {  	_ =	shalt  }
0x68: {  	_ =	shalt  }
0x69: {  	_ =	shalt  }
0x6a: {  	_ =	shalt  }
0x6b: {  	_ =	shalt  }
0x6c: {  	_ =	shalt  }
0x6d: {  	_ =	shalt  }
0x6e: {  	_ =	shalt  }
0x6f: {  	_ =	shalt  }
0x70: {  	_ =	shalt  }
0x71: {  	_ =	shalt  }
0x72: {  	_ =	shalt  }
0x73: {  	_ =	shalt  }
0x74: {  	_ =	shalt  }
0x75: {  	_ =	shalt  }
0x76: {  	_ =	shalt  }
0x77: {  	_ =	shalt  }
0x78: {  	_ =	shalt  }
0x79: {  	_ =	shalt  }
0x7a: {  	_ =	shalt  }
0x7b: {  	_ =	shalt  }
0x7c: {  	_ =	shalt  }
0x7d: {  	_ =	shalt  }
0x7e: {  	_ =	shalt  }
0x7f: {  	_ =	shalt  }
0x80: {  	_ =	shalt  }
0x81: {  	_ =	shalt  }
0x82: {  	_ =	shalt  }
0x83: {  	_ =	shalt  }
0x84: {  	_ =	shalt  }
0x85: {  	_ =	shalt  }
0x86: {  	_ =	shalt  }
0x87: {  	_ =	shalt  }
.Lfunc_end0:
.L_simem_size_0:
called_computation_lowered:
.L_overlay_start_0:
0x88: {  	s2 =	sld [smem:$0x3FD9]  }
0x89: {  	s3 =	sld [smem:$0x3FFE];
	_ =	sdelay $0x1  }
0x8a: {  	s1 =	srdreg.scid  }
0x8b: {  	s0 =	sand.u32 $0x1, s1  }
0x8c: {  	s14 =	sshll.u32 s0, $0xA;
	s2 =	sadd.s32 s3, s2  }
0x8d: {  	s2 =	sadd.s32 s2, s14  }
0x8e: {  	[smem:$0x3FA8] =	sst s2  }
0x8f: {  	_ = 	snop  }
0x90: {  	s2 =	sld [smem:$0x3FD0];
	_ =	sdelay $0x2  }
0x91: {  	s15 =	simm.s32 $0xA;
	s4 =	simm.s32 $0x10  }
0x92: {  	[smem:s4], [sflag:s15] =	dma.local [hbm:s2], $0x1  }
0x93: {  	_ =	swait.eq [sflag:s15], $0x1  }
0x94: {  	[sflag:s15] =	ssyncset.done $0x0  }
0x95: {  	s16 =	sld [smem:$0x10];
	[sflag:s15] =	ssyncadd.s32 $0xFFFFFFFF  }
0x96: {  	s17 =	sld [smem:$0x11];
	(tm) =	ssettm $0x1  }
0x97: {  	s18 =	sld [smem:$0x3FFB];
	_ =	sdelay $0x3  }
0x98: {  	_ =	strace s18  }
0x99: {  	s4 =	sld [smem:$0x3FFC];
	_ =	sdelay $0x3  }
0x9a: {  	_ =	strace s4  }
0x9b: {  	s4 =	sld [smem:$0x3FFD];
	_ =	sdelay $0x3  }
0x9c: {  	_ =	strace s4  }
0x9d: {  	_ =	strace $0x8FFFFFFF  }
0x9e: {  	s19 =	sld [smem:$0x3FDB];
	_ =	sdelay $0x1  }
0x9f: {  	s5 =	simm.s32 $_scs_section_size  }
0xa0: {  	s6 =	simm.s32 $_size__tile_overlayer_lowered;
	s7 =	simm.s32 $_tile_overlayer_lowered  }
0xa1: {  	s22 =	simm.s32 $0x1BFF;
	s21 =	sshll.u32 s7, $0x1;
	s4 =	sadd.s32 s5, s19  }
0xa2: {  	s8 =	simm.s32 $0x0;
	s20 =	sshll.u32 s6, $0x1;
	s6 =	sadd.s32 s21, s4  }
0xa3: {  	[timem:s8], [sflag:s22] =	dma.local [hbm:s6], s20  }
0xa4: {  	_ =	swait.ge [sflag:s22], s20  }
0xa5: {  	s5 =	ssub.s32 $0x0, s20;
	[sflag:s22] =	ssyncset.done $0x0  }
0xa6: {  	[sflag:s22] =	ssyncadd.s32 s5;
	_ =	sdelay $0x1  }
0xa7: {  	s23 =	simm.s32 $0x1B8B  }
0xa8: {  	_ =	swait.ge [sflag:s23], $0x1  }
0xa9: {  	[sflag:s23] =	ssyncset.done $0x0  }
0xaa: {  	s25 =	simm.s32 $0x1B8E;
	s24 =	sld [smem:$0x3FFE];
	[sflag:s23] =	ssyncadd.s32 $0xFFFFFFFF  }
0xab: {  	s26 =	simm.s32 $execute0_lowered;
	[smem:$0x3FD2] =	sst s25  }
0xac: {  	s6 =	sshll.u32 s26, $0x1;
	_ =	strace $0x80000046;
	[dreg:$0x1] =	wrdreg $0xFFFFFFFF  }
0xad: {  	s28 =	simm.s32 $_size_execute0_lowered;
	s4 =	sadd.s32 s4, s6;
	[dreg:$0x0] =	wrdreg $0x0  }
0xae: {  	s6 =	sshll.u32 s28, $0x1;
	[dreg:$0x2] =	wrdreg s4  }
0xaf: {  	[dreg:$0x3] =	wrdreg s6  }
0xb0: {  	[dreg:$0x4] =	wrdreg $0xC0  }
0xb1: {  	_ =	task [dreg:s8], $0x5FFFF  }
0xb2: {  	[dreg:$0x1] =	wrdreg $0xFFFFFFFF  }
0xb3: {  	[dreg:$0x0] =	wrdreg $0x60  }
0xb4: {  	[dreg:$0x2] =	wrdreg s24  }
0xb5: {  	[dreg:$0x3] =	wrdreg s16  }
0xb6: {  	[dreg:$0x4] =	wrdreg s17  }
0xb7: {  	[dreg:$0x5] =	wrdreg $0x0  }
0xb8: {  	[dreg:$0x6] =	wrdreg $0x9  }
0xb9: {  	_ =	task.clear_ibuf [dreg:s8], $0x7FFFF;
	_ =	strace $0x90000046  }
0xba: {  	s29 =	simm.s32 $0x9;
	_ =	strace $0x80000048  }
0xbb: {  	_ =	swait.ge [sflag:s29], $0x1  }
0xbc: {  	[sflag:s29] =	ssyncadd.s32 $0xFFFFFFFF  }
0xbd: {  	_ =	strace $0x90000048  }
0xbe: {  	_ =	sfence  }
0xbf: {  	s30 =	sld [smem:$0x0];
	_ =	sdelay $0x2  }
0xc0: {  	s31 =	sshll.u32 s1, $0xD;
	s1 =	sshrl.u32 s1, $0x2  }
0xc1: {  	s3 =	sand.u32 $0x4000, s31;
	s1 =	sadd.s32 s1, s30  }
0xc2: {  	s0 =	sor.u32 s3, s0;
	s1 =	sshll.u32 s1, $0x11  }
0xc3: {  	s0 =	sor.u32 s1, s0  }
0xc4: {  	s0 =	sadd.s32 $0x8F2B, s0  }
0xc5: {  	[sflag:s0] =	ssyncadd.remote.s32 $0x1  }
0xc6: {  	_ =	sfence.sel $0xFFFF  }
0xc7: {  	[dreg:$0x0] =	wrdreg $0xFFFFFFFF;
	(pc) =	sbr.abs _section_cstart, $3  }
0xc8: {  	[dreg:$0x1] =	wrdreg $0xFFFFFFFF  }
0xc9: {  	_ =	task.clear_ibuf [dreg:s8], $0x2FFFF;
	_ =	strace $0x9FFFFFFF  }
0xca: {  	(tm) =	ssettm $0x7FFFFFFF  }
0xcb: {  	_ =	shalt  }
tec
execute0_lowered:
.L_overlay_start_1:
0x0: {  	(tag) =	ssettag $0x1  }
0x1: {  	s5 =	rddreg [dreg:$0x0]  }
0x2: {  	s8 =	rddreg [dreg:$0x1]  }
0x3: {  	s13 =	rddreg [dreg:$0x2]  }
0x4: {  	s2 =	rddreg [dreg:$0x3]  }
0x5: {  	s0 =	rddreg [dreg:$0x4];
	s3 =	simm.s32 $0x0  }
0x6: {  	s1 =	stileid.u32;
	s4 =	srdreg.scid;
	s17 =	simm.s32 $0x17880  }
0x7: {  	s18 =	simm.s32 $0x17900;
	s19 =	simm.s32 $0x80;
	s20 =	simm.s32 $0x0  }
0x8: {  	[smem:$0x7FF] =	sst s3;
	s6 =	sshll.u32 s1, $0xC;
	s9 =	smul.u32 $0x500, s1  }
0x9: {  	s12 =	sand.u32 $0x1, s4;
	s4 =	sadd.s32 $0xE600, s5;
	s11 =	smul.u32 $0xA000, s1  }
0xa: {  	s25 =	ssub.s32 $0x8C, s1;
	s14 =	sshll.u32 s1, $0x1;
	s16 =	smul.u32 $0x2800, s1  }
0xb: {  	s31 =	sshll.u32 s1, $0x8;
	_ =	strace $0x80000047;
	s10 =	sadd.s32 s6, s5  }
0xc: {  	s24 =	ssub.s32 $0x2, s12;
	s5 =	sadd.s32 $0x4800, s5;
	s6 =	sshrl.u32 s25, $0x4  }
0xd: {  	s15 =	smul.u32 $0x138800, s12;
	s28 =	sor.u32 s14, s12;
	s29 =	sshll.u32 s12, $0xB  }
0xe: {  	s12 =	sshll.u32 s12, $0x7;
	s7 =	sshrl.u32 s24, $0x1;
	s8 =	sadd.s32 s9, s8  }
0xf: {  	s26 =	sshrl.u32 s11, $0x2;
	s11 =	ssub.s32 $0x9E3, s28;
	s14 =	sadd.s32 s29, s10  }
0x10: {  	s12 =	sor.u32 s12, s31;
	s7 =	ssub.s32 s24, s7;
	s9 =	sadd.s32 s26, s2  }
0x11: {  	s10 =	sshrl.u32 s11, $0x5;
	s11 =	sadd.s32 $0x18400, s14;
	s30 =	sadd.s32 s16, s15  }
0x12: {  	s15 =	simm.s32 $0x1;
	s16 =	simm.s32 $0x13880;
	s14 =	sshrl.u32 s30, $0x3  }
0x13: {  	s7 =	smax.u32 s7, $0x1;
	s13 =	sadd.s32 s14, s13;
	s14 =	simm.s32 $0x17980  }
.LBB2_1:
0x14: {  	[tilespmem:s14], [sflag:$0x1] =	stream.linear.gather [hbm4b:s8+s3], $0x2800, $0x38;
	[tilespmem:$0x1A180] =	vst v63  }
0x15: {  	p0 =	sne.s32 s6, $0x1;
	_ =	swait.ge [sflag:s15], $0x2800  }
.Ltmp0:
0x16: {  	[sflag:s15] =	ssyncset.done $0x0;
	(pc) =	sbr.rel @!p0 .LBB2_3-.Ltmp0, $4  }
0x17: {  	[sflag:s15] =	ssyncadd.s32 $0xFFFFD800  }
0x18: {  	[spmem:s9] =	stream.linear.scatter [tilespmem:s14], [sflag:$0x1], $0x2800, $0x38;
	[tilespmem:$0x1A180] =	vst v63  }
0x19: {  	s21 =	sadd.s32 $0xFFFFFFFF, s6;
	_ =	swait.ge [sflag:s15], $0x2800  }
0x1a: {  	s22 =	smov.u32 s8;
	s23 =	smov.u32 s9;
	[sflag:s15] =	ssyncset.done $0x0  }
.LBB2_2:
0x1b: {  	[sflag:s15] =	ssyncadd.s32 $0xFFFFD800;
	s22 =	sadd.s32 $0x5000, s22;
	s23 =	sadd.s32 $0x28000, s23  }
0x1c: {  	[tilespmem:s14], [sflag:$0x1] =	stream.linear.gather [hbm4b:s22+s3], $0x2800, $0x38;
	[tilespmem:$0x1A180] =	vst v63  }
0x1d: {  	p1 =	sne.s32 s21, $0x1;
	s21 =	sadd.s32 $0xFFFFFFFF, s21;
	_ =	swait.ge [sflag:s15], $0x2800  }
.Ltmp1:
0x1e: {  	[sflag:s15] =	ssyncset.done $0x0;
	(pc) =	sbr.rel @p1 .LBB2_2-.Ltmp1, $4  }
0x1f: {  	[sflag:s15] =	ssyncadd.s32 $0xFFFFD800  }
0x20: {  	[spmem:s23] =	stream.linear.scatter [tilespmem:s14], [sflag:$0x1], $0x2800, $0x38;
	[tilespmem:$0x1A180] =	vst v63  }
0x21: {  	_ =	swait.ge [sflag:s15], $0x2800  }
0x22: {  	[sflag:s15] =	ssyncset.done $0x0  }
.LBB2_3:
0x23: {  	[sflag:s15] =	ssyncadd.s32 $0xFFFFD800  }
0x24: {  	[bflag:$0x0] =	sbarrier.arrive $0xFFFF  }
0x25: {  	[tilespmem:s16], [sflag:$0x1] =	stream.linear.gather [hbm4b:s11+s3], $0x4000, $0x38;
	[tilespmem:$0x1A180] =	vst v63  }
0x26: {  	_ =	swait.ge [sflag:s15], $0x4000  }
0x27: {  	s21 =	sshrl.u32 s12, $0x3;
	[sflag:s15] =	ssyncset.done $0x0  }
0x28: {  	s22 =	sadd.s32 s4, s21;
	[sflag:s15] =	ssyncadd.s32 $0xFFFFC000  }
0x29: {  	[tilespmem:s17], [sflag:$0x1] =	stream.linear.gather [hbm4b:s22+s3], $0x80, $0x38;
	[tilespmem:$0x1A180] =	vst v63  }
0x2a: {  	_ =	swait.ge [sflag:s15], $0x80  }
0x2b: {  	[sflag:s15] =	ssyncset.done $0x0  }
0x2c: {  	s21 =	sadd.s32 s5, s21;
	[sflag:s15] =	ssyncadd.s32 $0xFFFFFF80  }
0x2d: {  	[tilespmem:s18], [sflag:$0x1] =	stream.linear.gather [hbm4b:s21+s3], $0x80, $0x38;
	[tilespmem:$0x1A180] =	vst v63  }
0x2e: {  	_ =	swait.ge [sflag:s15], $0x80  }
0x2f: {  	[sflag:s15] =	ssyncset.done $0x0  }
0x30: {  	[sflag:s15] =	ssyncadd.s32 $0xFFFFFF80  }
0x31: {  	[spmem:s2] =	stream.indirect.scatter.add.f32 [tilespmem:s16], [sflag:$0x1], $0x80, s17, s19, $0xb8;
	[tilespmem:$0x1A180] =	vst v63  }
0x32: {  	p1 =	sne.s32 s10, $0x1;
	_ =	swait.ge [sflag:s15], $0x4000  }
.Ltmp2:
0x33: {  	[sflag:s15] =	ssyncset.done $0x0;
	(pc) =	sbr.rel @!p1 .LBB2_5-.Ltmp2, $4  }
0x34: {  	[sflag:s15] =	ssyncadd.s32 $0xFFFFC000  }
0x35: {  	[spmem:s2] =	stream.indirect.scatter.add.f32 [tilespmem:s16], [sflag:$0x1], $0x80, s18, s19, $0xb8;
	[tilespmem:$0x1A180] =	vst v63  }
0x36: {  	s23 =	smov.u32 s12;
	_ =	swait.ge [sflag:s15], $0x4000  }
0x37: {  	s22 =	smov.u32 s11;
	s21 =	sadd.s32 $0xFFFFFFFF, s10;
	[sflag:s15] =	ssyncset.done $0x0  }
.LBB2_4:
0x38: {  	[sflag:s15] =	ssyncadd.s32 $0xFFFFC000;
	s22 =	sadd.s32 $0x10000, s22;
	s23 =	sadd.s32 $0x1000, s23  }
0x39: {  	[tilespmem:s16], [sflag:$0x1] =	stream.linear.gather [hbm4b:s22+s3], $0x4000, $0x38;
	[tilespmem:$0x1A180] =	vst v63  }
0x3a: {  	p1 =	sne.s32 s21, $0x1;
	s21 =	sadd.s32 $0xFFFFFFFF, s21;
	_ =	swait.ge [sflag:s15], $0x4000  }
0x3b: {  	s24 =	sshrl.u32 s23, $0x3;
	[sflag:s15] =	ssyncset.done $0x0  }
0x3c: {  	s25 =	sadd.s32 s4, s24;
	[sflag:s15] =	ssyncadd.s32 $0xFFFFC000  }
0x3d: {  	[tilespmem:s17], [sflag:$0x1] =	stream.linear.gather [hbm4b:s25+s3], $0x80, $0x38;
	[tilespmem:$0x1A180] =	vst v63  }
0x3e: {  	_ =	swait.ge [sflag:s15], $0x80  }
0x3f: {  	[sflag:s15] =	ssyncset.done $0x0  }
0x40: {  	s24 =	sadd.s32 s5, s24;
	[sflag:s15] =	ssyncadd.s32 $0xFFFFFF80  }
0x41: {  	[tilespmem:s18], [sflag:$0x1] =	stream.linear.gather [hbm4b:s24+s3], $0x80, $0x38;
	[tilespmem:$0x1A180] =	vst v63  }
0x42: {  	_ =	swait.ge [sflag:s15], $0x80  }
0x43: {  	[sflag:s15] =	ssyncset.done $0x0  }
0x44: {  	[sflag:s15] =	ssyncadd.s32 $0xFFFFFF80  }
0x45: {  	[spmem:s2] =	stream.indirect.scatter.add.f32 [tilespmem:s16], [sflag:$0x1], $0x80, s17, s19, $0xb8;
	[tilespmem:$0x1A180] =	vst v63  }
0x46: {  	_ =	swait.ge [sflag:s15], $0x4000  }
.Ltmp3:
0x47: {  	[sflag:s15] =	ssyncset.done $0x0;
	(pc) =	sbr.rel @p1 .LBB2_4-.Ltmp3, $4  }
0x48: {  	[sflag:s15] =	ssyncadd.s32 $0xFFFFC000  }
0x49: {  	[spmem:s2] =	stream.indirect.scatter.add.f32 [tilespmem:s16], [sflag:$0x1], $0x80, s18, s19, $0xb8;
	[tilespmem:$0x1A180] =	vst v63  }
0x4a: {  	_ =	swait.ge [sflag:s15], $0x4000  }
0x4b: {  	[sflag:s15] =	ssyncset.done $0x0  }
.LBB2_5:
0x4c: {  	[sflag:s15] =	ssyncadd.s32 $0xFFFFC000  }
0x4d: {  	[bflag:$0x0] =	sbarrier.arrive $0xFFFF  }
0x4e: {  	[tilespmem:s14], [sflag:$0x1] =	stream.linear.gather [spmem:s9], $0x2800, $0x38;
	[tilespmem:$0x1A180] =	vst v63  }
0x4f: {  	_ =	swait.ge [sflag:s15], $0x2800  }
.Ltmp4:
0x50: {  	[sflag:s15] =	ssyncset.done $0x0;
	(pc) =	sbr.rel @!p0 .LBB2_7-.Ltmp4, $4  }
0x51: {  	[sflag:s15] =	ssyncadd.s32 $0xFFFFD800  }
0x52: {  	[hbm4b:s13+s3] =	stream.linear.scatter [tilespmem:s14], [sflag:$0x1], $0x2800, $0x38;
	[tilespmem:$0x1A180] =	vst v63  }
0x53: {  	s21 =	sadd.s32 $0xFFFFFFFF, s6;
	_ =	swait.ge [sflag:s15], $0x2800  }
0x54: {  	s22 =	smov.u32 s9;
	s23 =	smov.u32 s13;
	[sflag:s15] =	ssyncset.done $0x0  }
.LBB2_6:
0x55: {  	[sflag:s15] =	ssyncadd.s32 $0xFFFFD800;
	s22 =	sadd.s32 $0x28000, s22;
	s23 =	sadd.s32 $0x5000, s23  }
0x56: {  	[tilespmem:s14], [sflag:$0x1] =	stream.linear.gather [spmem:s22], $0x2800, $0x38;
	[tilespmem:$0x1A180] =	vst v63  }
0x57: {  	p0 =	sne.s32 s21, $0x1;
	s21 =	sadd.s32 $0xFFFFFFFF, s21;
	_ =	swait.ge [sflag:s15], $0x2800  }
.Ltmp5:
0x58: {  	[sflag:s15] =	ssyncset.done $0x0;
	(pc) =	sbr.rel @p0 .LBB2_6-.Ltmp5, $4  }
0x59: {  	[sflag:s15] =	ssyncadd.s32 $0xFFFFD800  }
0x5a: {  	[hbm4b:s23+s3] =	stream.linear.scatter [tilespmem:s14], [sflag:$0x1], $0x2800, $0x38;
	[tilespmem:$0x1A180] =	vst v63  }
0x5b: {  	_ =	swait.ge [sflag:s15], $0x2800  }
0x5c: {  	[sflag:s15] =	ssyncset.done $0x0  }
.LBB2_7:
0x5d: {  	s20 =	sadd.s32 $0x1, s20  }
0x5e: {  	p0 =	sne.s32 s20, s7  }
.Ltmp6:
0x5f: {  	_ = 	snop;
	(pc) =	sbr.rel @p0 .LBB2_1-.Ltmp6, $2  }
0x60: {  	_ =	sdelay $0x2  }
0x61: {  	[sflag:s15] =	ssyncadd.s32 $0xFFFFD800  }
0x62: {  	_ =	sfence.sel $0x180000  }
0x63: {  	[bflag:$0x0] =	sbarrier.arrive $0xFFFF  }
0x64: {  	p0 =	sne.s32 s1, $0x0;
	_ =	strace $0x90000047  }
0x65: {  	s0 =	sadd.s32 @!p0 $0x100000, s0;
	[bflag:$0x2] =	sbarrier.arrive $0xFFFF  }
0x66: {  	[sflag:s0] =	ssyncadd.tile.s32 @!p0 $0x1;
	_ =	shalt  }
.Lfunc_end2:
_tile_overlayer_lowered:
.L_overlay_start_2:
0x67: {  	(tag) =	ssettag $0x2  }
0x68: {  	s0 =	rddreg [dreg:$0x0];
	s2 =	stileid.u32  }
0x69: {  	s1 =	rddreg [dreg:$0x1];
	p0 =	sne.s32 s2, $0x0  }
0x6a: {  	s3 =	rddreg [dreg:$0x2];
	[bflag:$0x3] =	sbarrier.arrive $0xFFFF;
	s2 =	simm.s32 @!p0 $0x1C01  }
0x6b: {  	[timem:s3], [sflag:s2] =	dma.local @!p0 [hbm:s0], s1  }
0x6c: {  	s0 =	simm.s32 @!p0 $0x1  }
0x6d: {  	_ =	swait.ge @!p0 [sflag:s0], s1  }
0x6e: {  	s1 =	ssub.s32 @!p0 $0x0, s1;
	[sflag:s0] =	ssyncset.done @!p0 $0x0  }
0x6f: {  	[sflag:s0] =	ssyncadd.s32 @!p0 s1  }
0x70: {  	[bflag:$0x3] =	sbarrier.arrive $0xFFFF  }
0x71: {  	_ =	shalt  }

</sc_bundles>
